<compile_context>
chip_gen: v7x
topology: tpu7x:2x2x1
jax: 0.10.2.dev20260603
libtpu: 0.0.44.dev20260713+nightly
codegen_flags: <defaults>
</compile_context>

<pallas_src>
import functools

import jax
import jax.numpy as jnp
from jax import lax
from jax.experimental import pallas as pl
from jax.experimental.pallas import tpu as pltpu
from jax.experimental.pallas import tpu_sc as plsc


B = 4
S = 2048
KK = 64
CB = 128
RBM = 256
NJG = 8
NC = 2
NSUB = 16


def _topk_body(scores_t_ref, idx_ref):
    vals = scores_t_ref[0]
    iota_c = lax.broadcasted_iota(jnp.int32, (S, CB), 0)
    iota_k = lax.broadcasted_iota(jnp.int32, (KK, CB), 0)
    acc0 = jnp.zeros((KK, CB), jnp.int32)

    def step(t, carry):
        vals, acc = carry
        v, ix = vals, iota_c
        while v.shape[0] > 1:
            h = v.shape[0] // 2
            a, b = v[:h], v[h:]
            ia, ib = ix[:h], ix[h:]
            gt = (a > b) | ((a == b) & (ia < ib))
            v = jnp.where(gt, a, b)
            ix = jnp.where(gt, ia, ib)
        am = ix
        acc = jnp.where(iota_k == t, am, acc)
        vals = jnp.where(iota_c == am, -jnp.inf, vals)
        return vals, acc

    _, acc = lax.fori_loop(0, KK, step, (vals, acc0))
    idx_ref[0] = acc


def _sc_scatter_body(idx_t_hbm, pres_hbm, idx_v, pres_v):
    wid = lax.axis_index("s") * NC + lax.axis_index("c")
    b = wid // NJG
    jg = wid % NJG
    pltpu.sync_copy(idx_t_hbm.at[b, pl.ds(jg * 8, 8)], idx_v)

    zeros = jnp.zeros((16,), jnp.int32)
    ones = jnp.ones((16,), jnp.int32)

    def zero_step(i, carry):
        pres_v[pl.ds(i * 16, 16)] = zeros
        return carry

    lax.fori_loop(0, S * 8 // 16, zero_step, 0)

    for jl in range(8):
        jl_vec = jnp.full((16,), jl, jnp.int32)

        def mark_step(i, carry):
            rows = idx_v[jl, pl.ds(i * 16, 16)]
            plsc.store_scatter(pres_v, [rows * 8 + jl_vec], ones)
            return carry

        lax.fori_loop(0, S // 16, mark_step, 0)

    pltpu.sync_copy(pres_v, pres_hbm.at[b, jg])


def _mask_body(p0, p1, p2, p3, p4, p5, p6, p7, out_ref):
    ri = pl.program_id(1)
    pres = jnp.concatenate(
        [p[0, 0] for p in (p0, p1, p2, p3, p4, p5, p6, p7)], axis=1)
    pres_full = jnp.concatenate(
        [pres, jnp.zeros((RBM, S - KK), dtype=jnp.int32)], axis=1)
    keep = pres_full == 0
    rr = lax.broadcasted_iota(jnp.int32, (RBM, S), 0) + ri * RBM
    jj = lax.broadcasted_iota(jnp.int32, (RBM, S), 1)
    override = (rr <= KK) & (jj > rr)
    out_ref[0, 0] = keep | override


def kernel(attn_scores):
    scores_t = jnp.swapaxes(attn_scores, 1, 2)

    idx_t = pl.pallas_call(
        _topk_body,
        grid=(B, S // CB),
        in_specs=[pl.BlockSpec((1, S, CB), lambda b, si: (b, 0, si))],
        out_specs=pl.BlockSpec((1, KK, CB), lambda b, si: (b, 0, si)),
        out_shape=jax.ShapeDtypeStruct((B, KK, S), jnp.int32),
    )(scores_t)

    mesh = plsc.VectorSubcoreMesh(core_axis_name="c", subcore_axis_name="s")
    pres = functools.partial(
        pl.kernel,
        mesh=mesh,
        out_type=jax.ShapeDtypeStruct((B, NJG, S * 8), jnp.int32),
        scratch_types=[
            pltpu.VMEM((8, S), jnp.int32),
            pltpu.VMEM((S * 8,), jnp.int32),
        ],
        compiler_params=pltpu.CompilerParams(needs_layout_passes=False),
    )(_sc_scatter_body)(idx_t)
    pres4 = pres.reshape(B, NJG, S, 8)

    mask = pl.pallas_call(
        _mask_body,
        grid=(B, S // RBM),
        in_specs=[
            pl.BlockSpec((1, 1, RBM, 8),
                         functools.partial(lambda jg, b, ri: (b, jg, ri, 0), jg))
            for jg in range(NJG)
        ],
        out_specs=pl.BlockSpec((1, 1, RBM, S), lambda b, ri: (b, 0, ri, 0)),
        out_shape=jax.ShapeDtypeStruct((B, 1, S, S), jnp.bool_),
    )(*([pres4] * NJG))
    return mask

# --- scband reference (transcript-rebuilt; emitter-appended) ---
"""Pipeline reference for scband-topk-seq-latent-masker-54984171324132 (READ-ONLY COPY).

The authoritative reference and input builder live on the scoring server;
editing this copy changes nothing except your own understanding.
"""

import jax, jax.numpy as jnp
import numpy as np

K = 64

def setup_inputs(seed: int = 0) -> dict:
    key = jax.random.key(seed)
    attn_scores = jax.random.normal(key, (4, 2048, 2048), dtype=jnp.float32)
    return {"attn_scores": attn_scores}

def reference(attn_scores):
    k = K
    B, S, _ = attn_scores.shape
    # topk along dim=2 -> idx [B, S, k]
    _, idx = jax.lax.top_k(attn_scores, k)
    newmask = jnp.ones((B, S, S), dtype=bool)
    # torch.scatter(newmask, 1, idx, zeros): newmask[b, idx[b,s,j], j] = False
    bb = jnp.arange(B)[:, None, None]
    jj = jnp.arange(k)[None, None, :]
    newmask = newmask.at[bb, idx, jj].set(False)
    # for i in range(k+1): newmask[:, i, i+1:] = True
    rows = jnp.arange(S)[:, None]
    cols = jnp.arange(S)[None, :]
    cond = (rows <= k) & (cols > rows)
    newmask = jnp.where(cond[None, :, :], True, newmask)
    return newmask[:, None, :, :]

if __name__ == "__main__":
    import jax
    _d = setup_inputs()
    print(jax.jit(kernel)(*tuple(_d.values())))

</pallas_src>

<mosaic_0001>
#map = affine_map<(d0, d1) -> (0, 0, 0)>
module attributes {stable_mosaic.version = 14 : i64} {
  func.func @_sc_scatter_body(%arg0: i32, %arg1: i32, %arg2: memref<4x64x2048xi32, #tpu.memory_space<hbm>>, %arg3: memref<4x8x16384xi32, #tpu.memory_space<hbm>>, %arg4: memref<8x2048xi32, #tpu.memory_space<vmem>>, %arg5: memref<16384xi32, #tpu.memory_space<vmem>>) attributes {dimension_semantics = [#tpu.dimension_semantics<core_parallel>, #tpu.dimension_semantics<subcore_parallel>], iteration_bounds = array<i64: 2, 16>, scalar_prefetch = 0 : i64, scratch_operands = 2 : i64, tpu.core_type = #tpu.core_type<sc_vector_subcore>, window_params = [{transform_indices = #map}, {transform_indices = #map}]} {
    %mul3A = arith.constant 2 : i32
    %mul3A_0 = arith.muli %arg1, %mul3A : i32
    %add3A = arith.addi %mul3A_0, %arg0 : i32
    %jit3A = arith.constant 8 : i32
    %div3A = arith.divsi %add3A, %jit3A : i32
    %sign3A = arith.constant 0 : i32
    %sign3A_1 = arith.cmpi sgt, %add3A, %sign3A : i32
    %sign3A_2 = arith.extui %sign3A_1 : i1 to i32
    %sign3A_3 = arith.constant 0 : i32
    %sign3A_4 = arith.cmpi slt, %add3A, %sign3A_3 : i32
    %sign3A_5 = arith.extui %sign3A_4 : i1 to i32
    %sign3A_6 = arith.subi %sign3A_2, %sign3A_5 : i32
    %sign3A_7 = arith.constant 0 : i32
    %sign3A_8 = arith.cmpi sgt, %jit3A, %sign3A_7 : i32
    %sign3A_9 = arith.extui %sign3A_8 : i1 to i32
    %sign3A_10 = arith.constant 0 : i32
    %sign3A_11 = arith.cmpi slt, %jit3A, %sign3A_10 : i32
    %sign3A_12 = arith.extui %sign3A_11 : i1 to i32
    %sign3A_13 = arith.subi %sign3A_9, %sign3A_12 : i32
    %ne3A = arith.cmpi ne, %sign3A_6, %sign3A_13 : i32
    %rem3A = arith.remsi %add3A, %jit3A : i32
    %ne3A_14 = arith.constant 0 : i32
    %ne3A_15 = arith.cmpi ne, %rem3A, %ne3A_14 : i32
    %and3A = arith.andi %ne3A, %ne3A_15 : i1
    %sub3A = arith.constant 1 : i32
    %sub3A_16 = arith.subi %div3A, %sub3A : i32
    %select_n3A = arith.select %and3A, %sub3A_16, %div3A : i32
    %jit3A_17 = arith.constant 8 : i32
    %eq3A = arith.constant 0 : i32
    %eq3A_18 = arith.cmpi eq, %jit3A_17, %eq3A : i32
    %jit3A_19 = arith.constant 1 : i32
    %select_n3A_20 = arith.select %eq3A_18, %jit3A_19, %jit3A_17 : i32
    %rem3A_21 = arith.remsi %add3A, %select_n3A_20 : i32
    %ne3A_22 = arith.constant 0 : i32
    %ne3A_23 = arith.cmpi ne, %rem3A_21, %ne3A_22 : i32
    %lt3A = arith.constant 0 : i32
    %lt3A_24 = arith.cmpi slt, %rem3A_21, %lt3A : i32
    %lt3A_25 = arith.constant 0 : i32
    %lt3A_26 = arith.cmpi slt, %select_n3A_20, %lt3A_25 : i32
    %ne3A_27 = arith.xori %lt3A_24, %lt3A_26 : i1
    %and3A_28 = arith.andi %ne3A_27, %ne3A_23 : i1
    %add3A_29 = arith.addi %rem3A_21, %select_n3A_20 : i32
    %select_n3A_30 = arith.select %and3A_28, %add3A_29, %rem3A_21 : i32
    %mul3A_31 = arith.constant 8 : i32
    %mul3A_32 = arith.muli %select_n3A_30, %mul3A_31 : i32
    "tpu.region"() ({
      %run_scoped3A = tpu.sem_alloc : memref<!tpu.dma_semaphore, #tpu.memory_space<semaphore_mem>>
      %dma_start3A = arith.constant 0 : i32
      %dma_start3A_105 = tpu.memref_slice %arg2[%select_n3A, %mul3A_32, %dma_start3A] : memref<4x64x2048xi32, #tpu.memory_space<hbm>> -> memref<1x8x2048xi32, #tpu.memory_space<hbm>>
      %dma_start3A_106 = tpu.memref_squeeze %dma_start3A_105 : memref<1x8x2048xi32, #tpu.memory_space<hbm>> -> memref<8x2048xi32, #tpu.memory_space<hbm>>
      %dma_start3A_107 = arith.constant 0 : i32
      %dma_start3A_108 = tpu.memref_slice %arg2[%select_n3A, %mul3A_32, %dma_start3A_107] : memref<4x64x2048xi32, #tpu.memory_space<hbm>> -> memref<1x8x2048xi32, #tpu.memory_space<hbm>>
      %dma_start3A_109 = tpu.memref_squeeze %dma_start3A_108 : memref<1x8x2048xi32, #tpu.memory_space<hbm>> -> memref<8x2048xi32, #tpu.memory_space<hbm>>
      tpu.enqueue_dma source(%dma_start3A_109 : memref<8x2048xi32, #tpu.memory_space<hbm>>) target(%arg4 : memref<8x2048xi32, #tpu.memory_space<vmem>>) target_semaphore(%run_scoped3A : memref<!tpu.dma_semaphore, #tpu.memory_space<semaphore_mem>>)
      %dma_wait3A = arith.constant 0 : i32
      %dma_wait3A_110 = tpu.memref_slice %arg2[%select_n3A, %mul3A_32, %dma_wait3A] : memref<4x64x2048xi32, #tpu.memory_space<hbm>> -> memref<1x8x2048xi32, #tpu.memory_space<hbm>>
      %dma_wait3A_111 = tpu.memref_squeeze %dma_wait3A_110 : memref<1x8x2048xi32, #tpu.memory_space<hbm>> -> memref<8x2048xi32, #tpu.memory_space<hbm>>
      %dma_wait3A_112 = arith.constant 0 : i32
      %dma_wait3A_113 = tpu.memref_slice %arg2[%select_n3A, %mul3A_32, %dma_wait3A_112] : memref<4x64x2048xi32, #tpu.memory_space<hbm>> -> memref<1x8x2048xi32, #tpu.memory_space<hbm>>
      %dma_wait3A_114 = tpu.memref_squeeze %dma_wait3A_113 : memref<1x8x2048xi32, #tpu.memory_space<hbm>> -> memref<8x2048xi32, #tpu.memory_space<hbm>>
      tpu.wait_dma2 semaphore(%run_scoped3A : memref<!tpu.dma_semaphore, #tpu.memory_space<semaphore_mem>>) src(%dma_wait3A_114 : memref<8x2048xi32, #tpu.memory_space<hbm>>) dst(%arg4 : memref<8x2048xi32, #tpu.memory_space<vmem>>)
      tpu.yield
    }) : () -> ()
    %broadcast_in_dim3A = arith.constant 0 : i32
    %broadcast_in_dim3A_33 = vector.broadcast %broadcast_in_dim3A : i32 to vector<16xi32>
    %broadcast_in_dim3A_34 = arith.constant 1 : i32
    %broadcast_in_dim3A_35 = vector.broadcast %broadcast_in_dim3A_34 : i32 to vector<16xi32>
    %scan3A = arith.constant 0 : i32
    %scan3A_36 = arith.constant 0 : i32
    %scan3A_37 = arith.constant 1024 : i32
    %scan3A_38 = arith.addi %scan3A_36, %scan3A_37 : i32
    %scan3A_39 = arith.constant 1 : i32
    scf.for %scan3A_105 = %scan3A_36 to %scan3A_38 step %scan3A_39  : i32 {
      %mul3A_106 = arith.constant 16 : i32
      %mul3A_107 = arith.muli %scan3A_105, %mul3A_106 : i32
      %swap3A = arith.index_cast %mul3A_107 : i32 to index
      %swap3A_108 = tpu.vector_load %arg5[%swap3A] {strides = array<i32>} : memref<16384xi32, #tpu.memory_space<vmem>>, vector<16xi32>,
      tpu.vector_store %arg5[%swap3A], %broadcast_in_dim3A_33 {strides = array<i32>} : memref<16384xi32, #tpu.memory_space<vmem>>, vector<16xi32>,
    }
    %scan3A_40 = arith.constant 1024 : i32
    %broadcast_in_dim3A_41 = arith.constant 0 : i32
    %broadcast_in_dim3A_42 = vector.broadcast %broadcast_in_dim3A_41 : i32 to vector<16xi32>
    %scan3A_43 = arith.constant 0 : i32
    %scan3A_44 = arith.constant 0 : i32
    %scan3A_45 = arith.constant 128 : i32
    %scan3A_46 = arith.addi %scan3A_44, %scan3A_45 : i32
    %scan3A_47 = arith.constant 1 : i32
    scf.for %scan3A_105 = %scan3A_44 to %scan3A_46 step %scan3A_47  : i32 {
      %mul3A_106 = arith.constant 16 : i32
      %mul3A_107 = arith.muli %scan3A_105, %mul3A_106 : i32
      %get3A = arith.constant 0 : i32
      %get3A_108 = arith.index_cast %get3A : i32 to index
      %get3A_109 = arith.index_cast %mul3A_107 : i32 to index
      %get3A_110 = tpu.vector_load %arg4[%get3A_108, %get3A_109] {strides = array<i32>} : memref<8x2048xi32, #tpu.memory_space<vmem>>, vector<16xi32>,
      %mul3A_111 = arith.constant 8 : i32
      %mul3A_112 = vector.broadcast %mul3A_111 : i32 to vector<16xi32>
      %mul3A_113 = arith.muli %get3A_110, %mul3A_112 : vector<16xi32>
      %add3A_114 = arith.addi %mul3A_113, %broadcast_in_dim3A_42 : vector<16xi32>
      tpu.vector_store_idx %arg5[%add3A_114], %broadcast_in_dim3A_35 : memref<16384xi32, #tpu.memory_space<vmem>>[vector<16xi32>], vector<16xi32>,
    }
    %scan3A_48 = arith.constant 128 : i32
    %broadcast_in_dim3A_49 = arith.constant 1 : i32
    %broadcast_in_dim3A_50 = vector.broadcast %broadcast_in_dim3A_49 : i32 to vector<16xi32>
    %scan3A_51 = arith.constant 0 : i32
    %scan3A_52 = arith.constant 0 : i32
    %scan3A_53 = arith.constant 128 : i32
    %scan3A_54 = arith.addi %scan3A_52, %scan3A_53 : i32
    %scan3A_55 = arith.constant 1 : i32
    scf.for %scan3A_105 = %scan3A_52 to %scan3A_54 step %scan3A_55  : i32 {
      %mul3A_106 = arith.constant 16 : i32
      %mul3A_107 = arith.muli %scan3A_105, %mul3A_106 : i32
      %get3A = arith.constant 1 : i32
      %get3A_108 = arith.index_cast %get3A : i32 to index
      %get3A_109 = arith.index_cast %mul3A_107 : i32 to index
      %get3A_110 = tpu.vector_load %arg4[%get3A_108, %get3A_109] {strides = array<i32>} : memref<8x2048xi32, #tpu.memory_space<vmem>>, vector<16xi32>,
      %mul3A_111 = arith.constant 8 : i32
      %mul3A_112 = vector.broadcast %mul3A_111 : i32 to vector<16xi32>
      %mul3A_113 = arith.muli %get3A_110, %mul3A_112 : vector<16xi32>
      %add3A_114 = arith.addi %mul3A_113, %broadcast_in_dim3A_50 : vector<16xi32>
      tpu.vector_store_idx %arg5[%add3A_114], %broadcast_in_dim3A_35 : memref<16384xi32, #tpu.memory_space<vmem>>[vector<16xi32>], vector<16xi32>,
    }
    %scan3A_56 = arith.constant 128 : i32
    %broadcast_in_dim3A_57 = arith.constant 2 : i32
    %broadcast_in_dim3A_58 = vector.broadcast %broadcast_in_dim3A_57 : i32 to vector<16xi32>
    %scan3A_59 = arith.constant 0 : i32
    %scan3A_60 = arith.constant 0 : i32
    %scan3A_61 = arith.constant 128 : i32
    %scan3A_62 = arith.addi %scan3A_60, %scan3A_61 : i32
    %scan3A_63 = arith.constant 1 : i32
    scf.for %scan3A_105 = %scan3A_60 to %scan3A_62 step %scan3A_63  : i32 {
      %mul3A_106 = arith.constant 16 : i32
      %mul3A_107 = arith.muli %scan3A_105, %mul3A_106 : i32
      %get3A = arith.constant 2 : i32
      %get3A_108 = arith.index_cast %get3A : i32 to index
      %get3A_109 = arith.index_cast %mul3A_107 : i32 to index
      %get3A_110 = tpu.vector_load %arg4[%get3A_108, %get3A_109] {strides = array<i32>} : memref<8x2048xi32, #tpu.memory_space<vmem>>, vector<16xi32>,
      %mul3A_111 = arith.constant 8 : i32
      %mul3A_112 = vector.broadcast %mul3A_111 : i32 to vector<16xi32>
      %mul3A_113 = arith.muli %get3A_110, %mul3A_112 : vector<16xi32>
      %add3A_114 = arith.addi %mul3A_113, %broadcast_in_dim3A_58 : vector<16xi32>
      tpu.vector_store_idx %arg5[%add3A_114], %broadcast_in_dim3A_35 : memref<16384xi32, #tpu.memory_space<vmem>>[vector<16xi32>], vector<16xi32>,
    }
    %scan3A_64 = arith.constant 128 : i32
    %broadcast_in_dim3A_65 = arith.constant 3 : i32
    %broadcast_in_dim3A_66 = vector.broadcast %broadcast_in_dim3A_65 : i32 to vector<16xi32>
    %scan3A_67 = arith.constant 0 : i32
    %scan3A_68 = arith.constant 0 : i32
    %scan3A_69 = arith.constant 128 : i32
    %scan3A_70 = arith.addi %scan3A_68, %scan3A_69 : i32
    %scan3A_71 = arith.constant 1 : i32
    scf.for %scan3A_105 = %scan3A_68 to %scan3A_70 step %scan3A_71  : i32 {
      %mul3A_106 = arith.constant 16 : i32
      %mul3A_107 = arith.muli %scan3A_105, %mul3A_106 : i32
      %get3A = arith.constant 3 : i32
      %get3A_108 = arith.index_cast %get3A : i32 to index
      %get3A_109 = arith.index_cast %mul3A_107 : i32 to index
      %get3A_110 = tpu.vector_load %arg4[%get3A_108, %get3A_109] {strides = array<i32>} : memref<8x2048xi32, #tpu.memory_space<vmem>>, vector<16xi32>,
      %mul3A_111 = arith.constant 8 : i32
      %mul3A_112 = vector.broadcast %mul3A_111 : i32 to vector<16xi32>
      %mul3A_113 = arith.muli %get3A_110, %mul3A_112 : vector<16xi32>
      %add3A_114 = arith.addi %mul3A_113, %broadcast_in_dim3A_66 : vector<16xi32>
      tpu.vector_store_idx %arg5[%add3A_114], %broadcast_in_dim3A_35 : memref<16384xi32, #tpu.memory_space<vmem>>[vector<16xi32>], vector<16xi32>,
    }
    %scan3A_72 = arith.constant 128 : i32
    %broadcast_in_dim3A_73 = arith.constant 4 : i32
    %broadcast_in_dim3A_74 = vector.broadcast %broadcast_in_dim3A_73 : i32 to vector<16xi32>
    %scan3A_75 = arith.constant 0 : i32
    %scan3A_76 = arith.constant 0 : i32
    %scan3A_77 = arith.constant 128 : i32
    %scan3A_78 = arith.addi %scan3A_76, %scan3A_77 : i32
    %scan3A_79 = arith.constant 1 : i32
    scf.for %scan3A_105 = %scan3A_76 to %scan3A_78 step %scan3A_79  : i32 {
      %mul3A_106 = arith.constant 16 : i32
      %mul3A_107 = arith.muli %scan3A_105, %mul3A_106 : i32
      %get3A = arith.constant 4 : i32
      %get3A_108 = arith.index_cast %get3A : i32 to index
      %get3A_109 = arith.index_cast %mul3A_107 : i32 to index
      %get3A_110 = tpu.vector_load %arg4[%get3A_108, %get3A_109] {strides = array<i32>} : memref<8x2048xi32, #tpu.memory_space<vmem>>, vector<16xi32>,
      %mul3A_111 = arith.constant 8 : i32
      %mul3A_112 = vector.broadcast %mul3A_111 : i32 to vector<16xi32>
      %mul3A_113 = arith.muli %get3A_110, %mul3A_112 : vector<16xi32>
      %add3A_114 = arith.addi %mul3A_113, %broadcast_in_dim3A_74 : vector<16xi32>
      tpu.vector_store_idx %arg5[%add3A_114], %broadcast_in_dim3A_35 : memref<16384xi32, #tpu.memory_space<vmem>>[vector<16xi32>], vector<16xi32>,
    }
    %scan3A_80 = arith.constant 128 : i32
    %broadcast_in_dim3A_81 = arith.constant 5 : i32
    %broadcast_in_dim3A_82 = vector.broadcast %broadcast_in_dim3A_81 : i32 to vector<16xi32>
    %scan3A_83 = arith.constant 0 : i32
    %scan3A_84 = arith.constant 0 : i32
    %scan3A_85 = arith.constant 128 : i32
    %scan3A_86 = arith.addi %scan3A_84, %scan3A_85 : i32
    %scan3A_87 = arith.constant 1 : i32
    scf.for %scan3A_105 = %scan3A_84 to %scan3A_86 step %scan3A_87  : i32 {
      %mul3A_106 = arith.constant 16 : i32
      %mul3A_107 = arith.muli %scan3A_105, %mul3A_106 : i32
      %get3A = arith.constant 5 : i32
      %get3A_108 = arith.index_cast %get3A : i32 to index
      %get3A_109 = arith.index_cast %mul3A_107 : i32 to index
      %get3A_110 = tpu.vector_load %arg4[%get3A_108, %get3A_109] {strides = array<i32>} : memref<8x2048xi32, #tpu.memory_space<vmem>>, vector<16xi32>,
      %mul3A_111 = arith.constant 8 : i32
      %mul3A_112 = vector.broadcast %mul3A_111 : i32 to vector<16xi32>
      %mul3A_113 = arith.muli %get3A_110, %mul3A_112 : vector<16xi32>
      %add3A_114 = arith.addi %mul3A_113, %broadcast_in_dim3A_82 : vector<16xi32>
      tpu.vector_store_idx %arg5[%add3A_114], %broadcast_in_dim3A_35 : memref<16384xi32, #tpu.memory_space<vmem>>[vector<16xi32>], vector<16xi32>,
    }
    %scan3A_88 = arith.constant 128 : i32
    %broadcast_in_dim3A_89 = arith.constant 6 : i32
    %broadcast_in_dim3A_90 = vector.broadcast %broadcast_in_dim3A_89 : i32 to vector<16xi32>
    %scan3A_91 = arith.constant 0 : i32
    %scan3A_92 = arith.constant 0 : i32
    %scan3A_93 = arith.constant 128 : i32
    %scan3A_94 = arith.addi %scan3A_92, %scan3A_93 : i32
    %scan3A_95 = arith.constant 1 : i32
    scf.for %scan3A_105 = %scan3A_92 to %scan3A_94 step %scan3A_95  : i32 {
      %mul3A_106 = arith.constant 16 : i32
      %mul3A_107 = arith.muli %scan3A_105, %mul3A_106 : i32
      %get3A = arith.constant 6 : i32
      %get3A_108 = arith.index_cast %get3A : i32 to index
      %get3A_109 = arith.index_cast %mul3A_107 : i32 to index
      %get3A_110 = tpu.vector_load %arg4[%get3A_108, %get3A_109] {strides = array<i32>} : memref<8x2048xi32, #tpu.memory_space<vmem>>, vector<16xi32>,
      %mul3A_111 = arith.constant 8 : i32
      %mul3A_112 = vector.broadcast %mul3A_111 : i32 to vector<16xi32>
      %mul3A_113 = arith.muli %get3A_110, %mul3A_112 : vector<16xi32>
      %add3A_114 = arith.addi %mul3A_113, %broadcast_in_dim3A_90 : vector<16xi32>
      tpu.vector_store_idx %arg5[%add3A_114], %broadcast_in_dim3A_35 : memref<16384xi32, #tpu.memory_space<vmem>>[vector<16xi32>], vector<16xi32>,
    }
    %scan3A_96 = arith.constant 128 : i32
    %broadcast_in_dim3A_97 = arith.constant 7 : i32
    %broadcast_in_dim3A_98 = vector.broadcast %broadcast_in_dim3A_97 : i32 to vector<16xi32>
    %scan3A_99 = arith.constant 0 : i32
    %scan3A_100 = arith.constant 0 : i32
    %scan3A_101 = arith.constant 128 : i32
    %scan3A_102 = arith.addi %scan3A_100, %scan3A_101 : i32
    %scan3A_103 = arith.constant 1 : i32
    scf.for %scan3A_105 = %scan3A_100 to %scan3A_102 step %scan3A_103  : i32 {
      %mul3A_106 = arith.constant 16 : i32
      %mul3A_107 = arith.muli %scan3A_105, %mul3A_106 : i32
      %get3A = arith.constant 7 : i32
      %get3A_108 = arith.index_cast %get3A : i32 to index
      %get3A_109 = arith.index_cast %mul3A_107 : i32 to index
      %get3A_110 = tpu.vector_load %arg4[%get3A_108, %get3A_109] {strides = array<i32>} : memref<8x2048xi32, #tpu.memory_space<vmem>>, vector<16xi32>,
      %mul3A_111 = arith.constant 8 : i32
      %mul3A_112 = vector.broadcast %mul3A_111 : i32 to vector<16xi32>
      %mul3A_113 = arith.muli %get3A_110, %mul3A_112 : vector<16xi32>
      %add3A_114 = arith.addi %mul3A_113, %broadcast_in_dim3A_98 : vector<16xi32>
      tpu.vector_store_idx %arg5[%add3A_114], %broadcast_in_dim3A_35 : memref<16384xi32, #tpu.memory_space<vmem>>[vector<16xi32>], vector<16xi32>,
    }
    %scan3A_104 = arith.constant 128 : i32
    "tpu.region"() ({
      %run_scoped3A = tpu.sem_alloc : memref<!tpu.dma_semaphore, #tpu.memory_space<semaphore_mem>>
      %dma_start3A = arith.constant 0 : i32
      %dma_start3A_105 = tpu.memref_slice %arg3[%select_n3A, %select_n3A_30, %dma_start3A] : memref<4x8x16384xi32, #tpu.memory_space<hbm>> -> memref<1x1x16384xi32, #tpu.memory_space<hbm>>
      %dma_start3A_106 = tpu.memref_squeeze %dma_start3A_105 : memref<1x1x16384xi32, #tpu.memory_space<hbm>> -> memref<16384xi32, #tpu.memory_space<hbm>>
      %dma_start3A_107 = arith.constant 0 : i32
      %dma_start3A_108 = tpu.memref_slice %arg3[%select_n3A, %select_n3A_30, %dma_start3A_107] : memref<4x8x16384xi32, #tpu.memory_space<hbm>> -> memref<1x1x16384xi32, #tpu.memory_space<hbm>>
      %dma_start3A_109 = tpu.memref_squeeze %dma_start3A_108 : memref<1x1x16384xi32, #tpu.memory_space<hbm>> -> memref<16384xi32, #tpu.memory_space<hbm>>
      tpu.enqueue_dma source(%arg5 : memref<16384xi32, #tpu.memory_space<vmem>>) target(%dma_start3A_109 : memref<16384xi32, #tpu.memory_space<hbm>>) target_semaphore(%run_scoped3A : memref<!tpu.dma_semaphore, #tpu.memory_space<semaphore_mem>>)
      %dma_wait3A = arith.constant 0 : i32
      %dma_wait3A_110 = tpu.memref_slice %arg3[%select_n3A, %select_n3A_30, %dma_wait3A] : memref<4x8x16384xi32, #tpu.memory_space<hbm>> -> memref<1x1x16384xi32, #tpu.memory_space<hbm>>
      %dma_wait3A_111 = tpu.memref_squeeze %dma_wait3A_110 : memref<1x1x16384xi32, #tpu.memory_space<hbm>> -> memref<16384xi32, #tpu.memory_space<hbm>>
      %dma_wait3A_112 = arith.constant 0 : i32
      %dma_wait3A_113 = tpu.memref_slice %arg3[%select_n3A, %select_n3A_30, %dma_wait3A_112] : memref<4x8x16384xi32, #tpu.memory_space<hbm>> -> memref<1x1x16384xi32, #tpu.memory_space<hbm>>
      %dma_wait3A_114 = tpu.memref_squeeze %dma_wait3A_113 : memref<1x1x16384xi32, #tpu.memory_space<hbm>> -> memref<16384xi32, #tpu.memory_space<hbm>>
      tpu.wait_dma2 semaphore(%run_scoped3A : memref<!tpu.dma_semaphore, #tpu.memory_space<semaphore_mem>>) src(%arg5 : memref<16384xi32, #tpu.memory_space<vmem>>) dst(%dma_wait3A_114 : memref<16384xi32, #tpu.memory_space<hbm>>)
      tpu.yield
    }) : () -> ()
    return
  }
}

module attributes {stable_mosaic.version = 14 : i64} {
  func.func @_topk_body(%arg0: i32, %arg1: i32, %arg2: memref<1x2048x128xf32, #tpu.memory_space<vmem>>, %arg3: memref<1x64x128xi32, #tpu.memory_space<vmem>>) attributes {dimension_semantics = [#tpu.dimension_semantics<arbitrary>, #tpu.dimension_semantics<arbitrary>], iteration_bounds = array<i64: 4, 16>, scalar_prefetch = 0 : i64, scratch_operands = 0 : i64, tpu.core_type = #tpu.core_type<tc>, window_params = [{transform_indices = @transform_0, window_bounds = array<i64: 1, 2048, 128>}, {transform_indices = @transform_1, window_bounds = array<i64: 1, 64, 128>}]} {
    %get3A = arith.constant 0 : index
    %get3A_0 = arith.constant 0 : index
    %get3A_1 = arith.constant 0 : index
    %get3A_2 = vector.load %arg2[%get3A, %get3A_0, %get3A_1] : memref<1x2048x128xf32, #tpu.memory_space<vmem>>, vector<1x2048x128xf32>
    %get3A_3 = vector.shape_cast %get3A_2 : vector<1x2048x128xf32> to vector<2048x128xf32>
    %iota3A = tpu.iota {dimensions = array<i32: 0>} : vector<2048x128xi32>
    %iota3A_4 = tpu.iota {dimensions = array<i32: 0>} : vector<64x128xi32>
    %broadcast_in_dim3A = arith.constant 0 : i32
    %broadcast_in_dim3A_5 = vector.broadcast %broadcast_in_dim3A : i32 to vector<64x128xi32>
    %scan3A = arith.constant 0 : i32
    %scan3A_6 = arith.constant 64 : i32
    %scan3A_7 = arith.addi %scan3A, %scan3A_6 : i32
    %scan3A_8 = arith.constant 1 : i32
    %scan3A_9:2 = scf.for %scan3A_16 = %scan3A to %scan3A_7 step %scan3A_8 iter_args(%scan3A_17 = %get3A_3, %scan3A_18 = %broadcast_in_dim3A_5) -> (vector<2048x128xf32>, vector<64x128xi32>)  : i32 {
      %slice3A = vector.extract_strided_slice %scan3A_17 {offsets = [0, 0], sizes = [1024, 128], strides = [1, 1]} : vector<2048x128xf32> to vector<1024x128xf32>
      %slice3A_19 = vector.extract_strided_slice %scan3A_17 {offsets = [1024, 0], sizes = [1024, 128], strides = [1, 1]} : vector<2048x128xf32> to vector<1024x128xf32>
      %slice3A_20 = vector.extract_strided_slice %iota3A {offsets = [0, 0], sizes = [1024, 128], strides = [1, 1]} : vector<2048x128xi32> to vector<1024x128xi32>
      %slice3A_21 = vector.extract_strided_slice %iota3A {offsets = [1024, 0], sizes = [1024, 128], strides = [1, 1]} : vector<2048x128xi32> to vector<1024x128xi32>
      %gt3A = arith.cmpf ogt, %slice3A, %slice3A_19 : vector<1024x128xf32>
      %eq3A = arith.cmpf oeq, %slice3A, %slice3A_19 : vector<1024x128xf32>
      %lt3A = arith.cmpi slt, %slice3A_20, %slice3A_21 : vector<1024x128xi32>
      %and3A = arith.andi %eq3A, %lt3A : vector<1024x128xi1>
      %or3A = arith.ori %gt3A, %and3A : vector<1024x128xi1>
      %select_n3A = arith.select %or3A, %slice3A, %slice3A_19 : vector<1024x128xi1>, vector<1024x128xf32>
      %select_n3A_22 = arith.select %or3A, %slice3A_20, %slice3A_21 : vector<1024x128xi1>, vector<1024x128xi32>
      %slice3A_23 = vector.extract_strided_slice %select_n3A {offsets = [0, 0], sizes = [512, 128], strides = [1, 1]} : vector<1024x128xf32> to vector<512x128xf32>
      %slice3A_24 = vector.extract_strided_slice %select_n3A {offsets = [512, 0], sizes = [512, 128], strides = [1, 1]} : vector<1024x128xf32> to vector<512x128xf32>
      %slice3A_25 = vector.extract_strided_slice %select_n3A_22 {offsets = [0, 0], sizes = [512, 128], strides = [1, 1]} : vector<1024x128xi32> to vector<512x128xi32>
      %slice3A_26 = vector.extract_strided_slice %select_n3A_22 {offsets = [512, 0], sizes = [512, 128], strides = [1, 1]} : vector<1024x128xi32> to vector<512x128xi32>
      %gt3A_27 = arith.cmpf ogt, %slice3A_23, %slice3A_24 : vector<512x128xf32>
      %eq3A_28 = arith.cmpf oeq, %slice3A_23, %slice3A_24 : vector<512x128xf32>
      %lt3A_29 = arith.cmpi slt, %slice3A_25, %slice3A_26 : vector<512x128xi32>
      %and3A_30 = arith.andi %eq3A_28, %lt3A_29 : vector<512x128xi1>
      %or3A_31 = arith.ori %gt3A_27, %and3A_30 : vector<512x128xi1>
      %select_n3A_32 = arith.select %or3A_31, %slice3A_23, %slice3A_24 : vector<512x128xi1>, vector<512x128xf32>
      %select_n3A_33 = arith.select %or3A_31, %slice3A_25, %slice3A_26 : vector<512x128xi1>, vector<512x128xi32>
      %slice3A_34 = vector.extract_strided_slice %select_n3A_32 {offsets = [0, 0], sizes = [256, 128], strides = [1, 1]} : vector<512x128xf32> to vector<256x128xf32>
      %slice3A_35 = vector.extract_strided_slice %select_n3A_32 {offsets = [256, 0], sizes = [256, 128], strides = [1, 1]} : vector<512x128xf32> to vector<256x128xf32>
      %slice3A_36 = vector.extract_strided_slice %select_n3A_33 {offsets = [0, 0], sizes = [256, 128], strides = [1, 1]} : vector<512x128xi32> to vector<256x128xi32>
      %slice3A_37 = vector.extract_strided_slice %select_n3A_33 {offsets = [256, 0], sizes = [256, 128], strides = [1, 1]} : vector<512x128xi32> to vector<256x128xi32>
      %gt3A_38 = arith.cmpf ogt, %slice3A_34, %slice3A_35 : vector<256x128xf32>
      %eq3A_39 = arith.cmpf oeq, %slice3A_34, %slice3A_35 : vector<256x128xf32>
      %lt3A_40 = arith.cmpi slt, %slice3A_36, %slice3A_37 : vector<256x128xi32>
      %and3A_41 = arith.andi %eq3A_39, %lt3A_40 : vector<256x128xi1>
      %or3A_42 = arith.ori %gt3A_38, %and3A_41 : vector<256x128xi1>
      %select_n3A_43 = arith.select %or3A_42, %slice3A_34, %slice3A_35 : vector<256x128xi1>, vector<256x128xf32>
      %select_n3A_44 = arith.select %or3A_42, %slice3A_36, %slice3A_37 : vector<256x128xi1>, vector<256x128xi32>
      %slice3A_45 = vector.extract_strided_slice %select_n3A_43 {offsets = [0, 0], sizes = [128, 128], strides = [1, 1]} : vector<256x128xf32> to vector<128x128xf32>
      %slice3A_46 = vector.extract_strided_slice %select_n3A_43 {offsets = [128, 0], sizes = [128, 128], strides = [1, 1]} : vector<256x128xf32> to vector<128x128xf32>
      %slice3A_47 = vector.extract_strided_slice %select_n3A_44 {offsets = [0, 0], sizes = [128, 128], strides = [1, 1]} : vector<256x128xi32> to vector<128x128xi32>
      %slice3A_48 = vector.extract_strided_slice %select_n3A_44 {offsets = [128, 0], sizes = [128, 128], strides = [1, 1]} : vector<256x128xi32> to vector<128x128xi32>
      %gt3A_49 = arith.cmpf ogt, %slice3A_45, %slice3A_46 : vector<128x128xf32>
      %eq3A_50 = arith.cmpf oeq, %slice3A_45, %slice3A_46 : vector<128x128xf32>
      %lt3A_51 = arith.cmpi slt, %slice3A_47, %slice3A_48 : vector<128x128xi32>
      %and3A_52 = arith.andi %eq3A_50, %lt3A_51 : vector<128x128xi1>
      %or3A_53 = arith.ori %gt3A_49, %and3A_52 : vector<128x128xi1>
      %select_n3A_54 = arith.select %or3A_53, %slice3A_45, %slice3A_46 : vector<128x128xi1>, vector<128x128xf32>
      %select_n3A_55 = arith.select %or3A_53, %slice3A_47, %slice3A_48 : vector<128x128xi1>, vector<128x128xi32>
      %slice3A_56 = vector.extract_strided_slice %select_n3A_54 {offsets = [0, 0], sizes = [64, 128], strides = [1, 1]} : vector<128x128xf32> to vector<64x128xf32>
      %slice3A_57 = vector.extract_strided_slice %select_n3A_54 {offsets = [64, 0], sizes = [64, 128], strides = [1, 1]} : vector<128x128xf32> to vector<64x128xf32>
      %slice3A_58 = vector.extract_strided_slice %select_n3A_55 {offsets = [0, 0], sizes = [64, 128], strides = [1, 1]} : vector<128x128xi32> to vector<64x128xi32>
      %slice3A_59 = vector.extract_strided_slice %select_n3A_55 {offsets = [64, 0], sizes = [64, 128], strides = [1, 1]} : vector<128x128xi32> to vector<64x128xi32>
      %gt3A_60 = arith.cmpf ogt, %slice3A_56, %slice3A_57 : vector<64x128xf32>
      %eq3A_61 = arith.cmpf oeq, %slice3A_56, %slice3A_57 : vector<64x128xf32>
      %lt3A_62 = arith.cmpi slt, %slice3A_58, %slice3A_59 : vector<64x128xi32>
      %and3A_63 = arith.andi %eq3A_61, %lt3A_62 : vector<64x128xi1>
      %or3A_64 = arith.ori %gt3A_60, %and3A_63 : vector<64x128xi1>
      %select_n3A_65 = arith.select %or3A_64, %slice3A_56, %slice3A_57 : vector<64x128xi1>, vector<64x128xf32>
      %select_n3A_66 = arith.select %or3A_64, %slice3A_58, %slice3A_59 : vector<64x128xi1>, vector<64x128xi32>
      %slice3A_67 = vector.extract_strided_slice %select_n3A_65 {offsets = [0, 0], sizes = [32, 128], strides = [1, 1]} : vector<64x128xf32> to vector<32x128xf32>
      %slice3A_68 = vector.extract_strided_slice %select_n3A_65 {offsets = [32, 0], sizes = [32, 128], strides = [1, 1]} : vector<64x128xf32> to vector<32x128xf32>
      %slice3A_69 = vector.extract_strided_slice %select_n3A_66 {offsets = [0, 0], sizes = [32, 128], strides = [1, 1]} : vector<64x128xi32> to vector<32x128xi32>
      %slice3A_70 = vector.extract_strided_slice %select_n3A_66 {offsets = [32, 0], sizes = [32, 128], strides = [1, 1]} : vector<64x128xi32> to vector<32x128xi32>
      %gt3A_71 = arith.cmpf ogt, %slice3A_67, %slice3A_68 : vector<32x128xf32>
      %eq3A_72 = arith.cmpf oeq, %slice3A_67, %slice3A_68 : vector<32x128xf32>
      %lt3A_73 = arith.cmpi slt, %slice3A_69, %slice3A_70 : vector<32x128xi32>
      %and3A_74 = arith.andi %eq3A_72, %lt3A_73 : vector<32x128xi1>
      %or3A_75 = arith.ori %gt3A_71, %and3A_74 : vector<32x128xi1>
      %select_n3A_76 = arith.select %or3A_75, %slice3A_67, %slice3A_68 : vector<32x128xi1>, vector<32x128xf32>
      %select_n3A_77 = arith.select %or3A_75, %slice3A_69, %slice3A_70 : vector<32x128xi1>, vector<32x128xi32>
      %slice3A_78 = vector.extract_strided_slice %select_n3A_76 {offsets = [0, 0], sizes = [16, 128], strides = [1, 1]} : vector<32x128xf32> to vector<16x128xf32>
      %slice3A_79 = vector.extract_strided_slice %select_n3A_76 {offsets = [16, 0], sizes = [16, 128], strides = [1, 1]} : vector<32x128xf32> to vector<16x128xf32>
      %slice3A_80 = vector.extract_strided_slice %select_n3A_77 {offsets = [0, 0], sizes = [16, 128], strides = [1, 1]} : vector<32x128xi32> to vector<16x128xi32>
      %slice3A_81 = vector.extract_strided_slice %select_n3A_77 {offsets = [16, 0], sizes = [16, 128], strides = [1, 1]} : vector<32x128xi32> to vector<16x128xi32>
      %gt3A_82 = arith.cmpf ogt, %slice3A_78, %slice3A_79 : vector<16x128xf32>
      %eq3A_83 = arith.cmpf oeq, %slice3A_78, %slice3A_79 : vector<16x128xf32>
      %lt3A_84 = arith.cmpi slt, %slice3A_80, %slice3A_81 : vector<16x128xi32>
      %and3A_85 = arith.andi %eq3A_83, %lt3A_84 : vector<16x128xi1>
      %or3A_86 = arith.ori %gt3A_82, %and3A_85 : vector<16x128xi1>
      %select_n3A_87 = arith.select %or3A_86, %slice3A_78, %slice3A_79 : vector<16x128xi1>, vector<16x128xf32>
      %select_n3A_88 = arith.select %or3A_86, %slice3A_80, %slice3A_81 : vector<16x128xi1>, vector<16x128xi32>
      %slice3A_89 = vector.extract_strided_slice %select_n3A_87 {offsets = [0, 0], sizes = [8, 128], strides = [1, 1]} : vector<16x128xf32> to vector<8x128xf32>
      %slice3A_90 = vector.extract_strided_slice %select_n3A_87 {offsets = [8, 0], sizes = [8, 128], strides = [1, 1]} : vector<16x128xf32> to vector<8x128xf32>
      %slice3A_91 = vector.extract_strided_slice %select_n3A_88 {offsets = [0, 0], sizes = [8, 128], strides = [1, 1]} : vector<16x128xi32> to vector<8x128xi32>
      %slice3A_92 = vector.extract_strided_slice %select_n3A_88 {offsets = [8, 0], sizes = [8, 128], strides = [1, 1]} : vector<16x128xi32> to vector<8x128xi32>
      %gt3A_93 = arith.cmpf ogt, %slice3A_89, %slice3A_90 : vector<8x128xf32>
      %eq3A_94 = arith.cmpf oeq, %slice3A_89, %slice3A_90 : vector<8x128xf32>
      %lt3A_95 = arith.cmpi slt, %slice3A_91, %slice3A_92 : vector<8x128xi32>
      %and3A_96 = arith.andi %eq3A_94, %lt3A_95 : vector<8x128xi1>
      %or3A_97 = arith.ori %gt3A_93, %and3A_96 : vector<8x128xi1>
      %select_n3A_98 = arith.select %or3A_97, %slice3A_89, %slice3A_90 : vector<8x128xi1>, vector<8x128xf32>
      %select_n3A_99 = arith.select %or3A_97, %slice3A_91, %slice3A_92 : vector<8x128xi1>, vector<8x128xi32>
      %slice3A_100 = vector.extract_strided_slice %select_n3A_98 {offsets = [0, 0], sizes = [4, 128], strides = [1, 1]} : vector<8x128xf32> to vector<4x128xf32>
      %slice3A_101 = vector.extract_strided_slice %select_n3A_98 {offsets = [4, 0], sizes = [4, 128], strides = [1, 1]} : vector<8x128xf32> to vector<4x128xf32>
      %slice3A_102 = vector.extract_strided_slice %select_n3A_99 {offsets = [0, 0], sizes = [4, 128], strides = [1, 1]} : vector<8x128xi32> to vector<4x128xi32>
      %slice3A_103 = vector.extract_strided_slice %select_n3A_99 {offsets = [4, 0], sizes = [4, 128], strides = [1, 1]} : vector<8x128xi32> to vector<4x128xi32>
      %gt3A_104 = arith.cmpf ogt, %slice3A_100, %slice3A_101 : vector<4x128xf32>
      %eq3A_105 = arith.cmpf oeq, %slice3A_100, %slice3A_101 : vector<4x128xf32>
      %lt3A_106 = arith.cmpi slt, %slice3A_102, %slice3A_103 : vector<4x128xi32>
      %and3A_107 = arith.andi %eq3A_105, %lt3A_106 : vector<4x128xi1>
      %or3A_108 = arith.ori %gt3A_104, %and3A_107 : vector<4x128xi1>
      %select_n3A_109 = arith.select %or3A_108, %slice3A_100, %slice3A_101 : vector<4x128xi1>, vector<4x128xf32>
      %select_n3A_110 = arith.select %or3A_108, %slice3A_102, %slice3A_103 : vector<4x128xi1>, vector<4x128xi32>
      %slice3A_111 = vector.extract_strided_slice %select_n3A_109 {offsets = [0, 0], sizes = [2, 128], strides = [1, 1]} : vector<4x128xf32> to vector<2x128xf32>
      %slice3A_112 = vector.extract_strided_slice %select_n3A_109 {offsets = [2, 0], sizes = [2, 128], strides = [1, 1]} : vector<4x128xf32> to vector<2x128xf32>
      %slice3A_113 = vector.extract_strided_slice %select_n3A_110 {offsets = [0, 0], sizes = [2, 128], strides = [1, 1]} : vector<4x128xi32> to vector<2x128xi32>
      %slice3A_114 = vector.extract_strided_slice %select_n3A_110 {offsets = [2, 0], sizes = [2, 128], strides = [1, 1]} : vector<4x128xi32> to vector<2x128xi32>
      %gt3A_115 = arith.cmpf ogt, %slice3A_111, %slice3A_112 : vector<2x128xf32>
      %eq3A_116 = arith.cmpf oeq, %slice3A_111, %slice3A_112 : vector<2x128xf32>
      %lt3A_117 = arith.cmpi slt, %slice3A_113, %slice3A_114 : vector<2x128xi32>
      %and3A_118 = arith.andi %eq3A_116, %lt3A_117 : vector<2x128xi1>
      %or3A_119 = arith.ori %gt3A_115, %and3A_118 : vector<2x128xi1>
      %select_n3A_120 = arith.select %or3A_119, %slice3A_111, %slice3A_112 : vector<2x128xi1>, vector<2x128xf32>
      %select_n3A_121 = arith.select %or3A_119, %slice3A_113, %slice3A_114 : vector<2x128xi1>, vector<2x128xi32>
      %slice3A_122 = vector.extract_strided_slice %select_n3A_120 {offsets = [0, 0], sizes = [1, 128], strides = [1, 1]} : vector<2x128xf32> to vector<1x128xf32>
      %slice3A_123 = vector.extract_strided_slice %select_n3A_120 {offsets = [1, 0], sizes = [1, 128], strides = [1, 1]} : vector<2x128xf32> to vector<1x128xf32>
      %slice3A_124 = vector.extract_strided_slice %select_n3A_121 {offsets = [0, 0], sizes = [1, 128], strides = [1, 1]} : vector<2x128xi32> to vector<1x128xi32>
      %slice3A_125 = vector.extract_strided_slice %select_n3A_121 {offsets = [1, 0], sizes = [1, 128], strides = [1, 1]} : vector<2x128xi32> to vector<1x128xi32>
      %gt3A_126 = arith.cmpf ogt, %slice3A_122, %slice3A_123 : vector<1x128xf32>
      %eq3A_127 = arith.cmpf oeq, %slice3A_122, %slice3A_123 : vector<1x128xf32>
      %lt3A_128 = arith.cmpi slt, %slice3A_124, %slice3A_125 : vector<1x128xi32>
      %and3A_129 = arith.andi %eq3A_127, %lt3A_128 : vector<1x128xi1>
      %or3A_130 = arith.ori %gt3A_126, %and3A_129 : vector<1x128xi1>
      %select_n3A_131 = arith.select %or3A_130, %slice3A_124, %slice3A_125 : vector<1x128xi1>, vector<1x128xi32>
      %eq3A_132 = vector.broadcast %scan3A_16 : i32 to vector<64x128xi32>
      %eq3A_133 = arith.cmpi eq, %iota3A_4, %eq3A_132 : vector<64x128xi32>
      %broadcast_in_dim3A_134 = vector.shape_cast %select_n3A_131 : vector<1x128xi32> to vector<1x128xi32>
      %broadcast_in_dim3A_135 = vector.broadcast %broadcast_in_dim3A_134 : vector<1x128xi32> to vector<64x128xi32>
      %select_n3A_136 = arith.select %eq3A_133, %broadcast_in_dim3A_135, %scan3A_18 : vector<64x128xi1>, vector<64x128xi32>
      %eq3A_137 = vector.broadcast %select_n3A_131 : vector<1x128xi32> to vector<2048x128xi32>
      %eq3A_138 = arith.cmpi eq, %iota3A, %eq3A_137 : vector<2048x128xi32>
      %jit3A = arith.constant 0xFF800000 : f32
      %broadcast_in_dim3A_139 = vector.broadcast %jit3A : f32 to vector<2048x128xf32>
      %select_n3A_140 = arith.select %eq3A_138, %broadcast_in_dim3A_139, %scan3A_17 : vector<2048x128xi1>, vector<2048x128xf32>
      scf.yield %select_n3A_140, %select_n3A_136 : vector<2048x128xf32>, vector<64x128xi32>
    }
    %scan3A_10 = arith.constant 64 : i32
    %swap3A = arith.constant 0 : index
    %swap3A_11 = arith.constant 0 : index
    %swap3A_12 = arith.constant 0 : index
    %swap3A_13 = vector.load %arg3[%swap3A, %swap3A_11, %swap3A_12] : memref<1x64x128xi32, #tpu.memory_space<vmem>>, vector<1x64x128xi32>
    %swap3A_14 = vector.shape_cast %swap3A_13 : vector<1x64x128xi32> to vector<64x128xi32>
    %swap3A_15 = vector.shape_cast %scan3A_9#1 : vector<64x128xi32> to vector<1x64x128xi32>
    tpu.vector_store %arg3[%swap3A, %swap3A_11, %swap3A_12], %swap3A_15 {strides = array<i32>} : memref<1x64x128xi32, #tpu.memory_space<vmem>>, vector<1x64x128xi32>,
    return
  }
  func.func @transform_0(%arg0: i32, %arg1: i32) -> (i32, i32, i32) {
    %c0_i32 = arith.constant 0 : i32
    %c0_i32_0 = arith.constant 0 : i32
    return %arg0, %c0_i32, %arg1 : i32, i32, i32
  }
  func.func @transform_1(%arg0: i32, %arg1: i32) -> (i32, i32, i32) {
    %c0_i32 = arith.constant 0 : i32
    %c0_i32_0 = arith.constant 0 : i32
    return %arg0, %c0_i32, %arg1 : i32, i32, i32
  }
}

module attributes {stable_mosaic.version = 14 : i64} {
  func.func @_mask_body(%arg0: i32, %arg1: i32, %arg2: memref<1x1x256x8xi32, #tpu.memory_space<vmem>>, %arg3: memref<1x1x256x8xi32, #tpu.memory_space<vmem>>, %arg4: memref<1x1x256x8xi32, #tpu.memory_space<vmem>>, %arg5: memref<1x1x256x8xi32, #tpu.memory_space<vmem>>, %arg6: memref<1x1x256x8xi32, #tpu.memory_space<vmem>>, %arg7: memref<1x1x256x8xi32, #tpu.memory_space<vmem>>, %arg8: memref<1x1x256x8xi32, #tpu.memory_space<vmem>>, %arg9: memref<1x1x256x8xi32, #tpu.memory_space<vmem>>, %arg10: memref<1x1x256x2048xi32, #tpu.memory_space<vmem>>) attributes {dimension_semantics = [#tpu.dimension_semantics<arbitrary>, #tpu.dimension_semantics<arbitrary>], iteration_bounds = array<i64: 4, 8>, scalar_prefetch = 0 : i64, scratch_operands = 0 : i64, tpu.core_type = #tpu.core_type<tc>, window_params = [{transform_indices = @transform_0, window_bounds = array<i64: 1, 1, 256, 8>}, {transform_indices = @transform_1, window_bounds = array<i64: 1, 1, 256, 8>}, {transform_indices = @transform_2, window_bounds = array<i64: 1, 1, 256, 8>}, {transform_indices = @transform_3, window_bounds = array<i64: 1, 1, 256, 8>}, {transform_indices = @transform_4, window_bounds = array<i64: 1, 1, 256, 8>}, {transform_indices = @transform_5, window_bounds = array<i64: 1, 1, 256, 8>}, {transform_indices = @transform_6, window_bounds = array<i64: 1, 1, 256, 8>}, {transform_indices = @transform_7, window_bounds = array<i64: 1, 1, 256, 8>}, {transform_indices = @transform_8, window_bounds = array<i64: 1, 1, 256, 2048>}]} {
    %get3A = arith.constant 0 : index
    %get3A_0 = arith.constant 0 : index
    %get3A_1 = arith.constant 0 : index
    %get3A_2 = arith.constant 0 : index
    %get3A_3 = vector.load %arg2[%get3A, %get3A_0, %get3A_1, %get3A_2] : memref<1x1x256x8xi32, #tpu.memory_space<vmem>>, vector<1x1x256x8xi32>
    %get3A_4 = vector.shape_cast %get3A_3 : vector<1x1x256x8xi32> to vector<256x8xi32>
    %get3A_5 = arith.constant 0 : index
    %get3A_6 = arith.constant 0 : index
    %get3A_7 = arith.constant 0 : index
    %get3A_8 = arith.constant 0 : index
    %get3A_9 = vector.load %arg3[%get3A_5, %get3A_6, %get3A_7, %get3A_8] : memref<1x1x256x8xi32, #tpu.memory_space<vmem>>, vector<1x1x256x8xi32>
    %get3A_10 = vector.shape_cast %get3A_9 : vector<1x1x256x8xi32> to vector<256x8xi32>
    %get3A_11 = arith.constant 0 : index
    %get3A_12 = arith.constant 0 : index
    %get3A_13 = arith.constant 0 : index
    %get3A_14 = arith.constant 0 : index
    %get3A_15 = vector.load %arg4[%get3A_11, %get3A_12, %get3A_13, %get3A_14] : memref<1x1x256x8xi32, #tpu.memory_space<vmem>>, vector<1x1x256x8xi32>
    %get3A_16 = vector.shape_cast %get3A_15 : vector<1x1x256x8xi32> to vector<256x8xi32>
    %get3A_17 = arith.constant 0 : index
    %get3A_18 = arith.constant 0 : index
    %get3A_19 = arith.constant 0 : index
    %get3A_20 = arith.constant 0 : index
    %get3A_21 = vector.load %arg5[%get3A_17, %get3A_18, %get3A_19, %get3A_20] : memref<1x1x256x8xi32, #tpu.memory_space<vmem>>, vector<1x1x256x8xi32>
    %get3A_22 = vector.shape_cast %get3A_21 : vector<1x1x256x8xi32> to vector<256x8xi32>
    %get3A_23 = arith.constant 0 : index
    %get3A_24 = arith.constant 0 : index
    %get3A_25 = arith.constant 0 : index
    %get3A_26 = arith.constant 0 : index
    %get3A_27 = vector.load %arg6[%get3A_23, %get3A_24, %get3A_25, %get3A_26] : memref<1x1x256x8xi32, #tpu.memory_space<vmem>>, vector<1x1x256x8xi32>
    %get3A_28 = vector.shape_cast %get3A_27 : vector<1x1x256x8xi32> to vector<256x8xi32>
    %get3A_29 = arith.constant 0 : index
    %get3A_30 = arith.constant 0 : index
    %get3A_31 = arith.constant 0 : index
    %get3A_32 = arith.constant 0 : index
    %get3A_33 = vector.load %arg7[%get3A_29, %get3A_30, %get3A_31, %get3A_32] : memref<1x1x256x8xi32, #tpu.memory_space<vmem>>, vector<1x1x256x8xi32>
    %get3A_34 = vector.shape_cast %get3A_33 : vector<1x1x256x8xi32> to vector<256x8xi32>
    %get3A_35 = arith.constant 0 : index
    %get3A_36 = arith.constant 0 : index
    %get3A_37 = arith.constant 0 : index
    %get3A_38 = arith.constant 0 : index
    %get3A_39 = vector.load %arg8[%get3A_35, %get3A_36, %get3A_37, %get3A_38] : memref<1x1x256x8xi32, #tpu.memory_space<vmem>>, vector<1x1x256x8xi32>
    %get3A_40 = vector.shape_cast %get3A_39 : vector<1x1x256x8xi32> to vector<256x8xi32>
    %get3A_41 = arith.constant 0 : index
    %get3A_42 = arith.constant 0 : index
    %get3A_43 = arith.constant 0 : index
    %get3A_44 = arith.constant 0 : index
    %get3A_45 = vector.load %arg9[%get3A_41, %get3A_42, %get3A_43, %get3A_44] : memref<1x1x256x8xi32, #tpu.memory_space<vmem>>, vector<1x1x256x8xi32>
    %get3A_46 = vector.shape_cast %get3A_45 : vector<1x1x256x8xi32> to vector<256x8xi32>
    %concatenate3A = tpu.concatenate %get3A_4, %get3A_10, %get3A_16, %get3A_22, %get3A_28, %get3A_34, %get3A_40, %get3A_46 in 1 : vector<256x8xi32>, vector<256x8xi32>, vector<256x8xi32>, vector<256x8xi32>, vector<256x8xi32>, vector<256x8xi32>, vector<256x8xi32>, vector<256x8xi32> -> vector<256x64xi32>
    %broadcast_in_dim3A = arith.constant 0 : i32
    %broadcast_in_dim3A_47 = vector.broadcast %broadcast_in_dim3A : i32 to vector<256x1984xi32>
    %concatenate3A_48 = tpu.concatenate %concatenate3A, %broadcast_in_dim3A_47 in 1 : vector<256x64xi32>, vector<256x1984xi32> -> vector<256x2048xi32>
    %eq3A = arith.constant 0 : i32
    %eq3A_49 = vector.broadcast %eq3A : i32 to vector<256x2048xi32>
    %eq3A_50 = arith.cmpi eq, %concatenate3A_48, %eq3A_49 : vector<256x2048xi32>
    %iota3A = tpu.iota {dimensions = array<i32: 0>} : vector<256x2048xi32>
    %mul3A = arith.constant 256 : i32
    %mul3A_51 = arith.muli %arg1, %mul3A : i32
    %add3A = vector.broadcast %mul3A_51 : i32 to vector<256x2048xi32>
    %add3A_52 = arith.addi %iota3A, %add3A : vector<256x2048xi32>
    %iota3A_53 = tpu.iota {dimensions = array<i32: 1>} : vector<256x2048xi32>
    %le3A = arith.constant 64 : i32
    %le3A_54 = vector.broadcast %le3A : i32 to vector<256x2048xi32>
    %le3A_55 = arith.cmpi sle, %add3A_52, %le3A_54 : vector<256x2048xi32>
    %gt3A = arith.cmpi sgt, %iota3A_53, %add3A_52 : vector<256x2048xi32>
    %and3A = arith.andi %le3A_55, %gt3A : vector<256x2048xi1>
    %or3A = arith.ori %eq3A_50, %and3A : vector<256x2048xi1>
    %swap3A = arith.constant 0 : index
    %swap3A_56 = arith.constant 0 : index
    %swap3A_57 = arith.constant 0 : index
    %swap3A_58 = arith.constant 0 : index
    %swap3A_59 = vector.load %arg10[%swap3A, %swap3A_56, %swap3A_57, %swap3A_58] : memref<1x1x256x2048xi32, #tpu.memory_space<vmem>>, vector<1x1x256x2048xi32>
    %swap3A_60 = arith.extui %or3A : vector<256x2048xi1> to vector<256x2048xi32>
    %swap3A_61 = vector.shape_cast %swap3A_59 : vector<1x1x256x2048xi32> to vector<256x2048xi32>
    %swap3A_62 = vector.shape_cast %swap3A_60 : vector<256x2048xi32> to vector<1x1x256x2048xi32>
    %swap3A_63 = arith.constant dense<0> : vector<256x2048xi32>
    %swap3A_64 = arith.cmpi ne, %swap3A_61, %swap3A_63 : vector<256x2048xi32>
    tpu.vector_store %arg10[%swap3A, %swap3A_56, %swap3A_57, %swap3A_58], %swap3A_62 {strides = array<i32>} : memref<1x1x256x2048xi32, #tpu.memory_space<vmem>>, vector<1x1x256x2048xi32>,
    return
  }
  func.func @transform_0(%arg0: i32, %arg1: i32) -> (i32, i32, i32, i32) {
    %c0_i32 = arith.constant 0 : i32
    %c0_i32_0 = arith.constant 0 : i32
    %c0_i32_1 = arith.constant 0 : i32
    return %arg0, %c0_i32, %arg1, %c0_i32_0 : i32, i32, i32, i32
  }
  func.func @transform_1(%arg0: i32, %arg1: i32) -> (i32, i32, i32, i32) {
    %c1_i32 = arith.constant 1 : i32
    %c0_i32 = arith.constant 0 : i32
    %c0_i32_0 = arith.constant 0 : i32
    return %arg0, %c1_i32, %arg1, %c0_i32 : i32, i32, i32, i32
  }
  func.func @transform_2(%arg0: i32, %arg1: i32) -> (i32, i32, i32, i32) {
    %c2_i32 = arith.constant 2 : i32
    %c0_i32 = arith.constant 0 : i32
    %c0_i32_0 = arith.constant 0 : i32
    return %arg0, %c2_i32, %arg1, %c0_i32 : i32, i32, i32, i32
  }
  func.func @transform_3(%arg0: i32, %arg1: i32) -> (i32, i32, i32, i32) {
    %c3_i32 = arith.constant 3 : i32
    %c0_i32 = arith.constant 0 : i32
    %c0_i32_0 = arith.constant 0 : i32
    return %arg0, %c3_i32, %arg1, %c0_i32 : i32, i32, i32, i32
  }
  func.func @transform_4(%arg0: i32, %arg1: i32) -> (i32, i32, i32, i32) {
    %c4_i32 = arith.constant 4 : i32
    %c0_i32 = arith.constant 0 : i32
    %c0_i32_0 = arith.constant 0 : i32
    return %arg0, %c4_i32, %arg1, %c0_i32 : i32, i32, i32, i32
  }
  func.func @transform_5(%arg0: i32, %arg1: i32) -> (i32, i32, i32, i32) {
    %c5_i32 = arith.constant 5 : i32
    %c0_i32 = arith.constant 0 : i32
    %c0_i32_0 = arith.constant 0 : i32
    return %arg0, %c5_i32, %arg1, %c0_i32 : i32, i32, i32, i32
  }
  func.func @transform_6(%arg0: i32, %arg1: i32) -> (i32, i32, i32, i32) {
    %c6_i32 = arith.constant 6 : i32
    %c0_i32 = arith.constant 0 : i32
    %c0_i32_0 = arith.constant 0 : i32
    return %arg0, %c6_i32, %arg1, %c0_i32 : i32, i32, i32, i32
  }
  func.func @transform_7(%arg0: i32, %arg1: i32) -> (i32, i32, i32, i32) {
    %c7_i32 = arith.constant 7 : i32
    %c0_i32 = arith.constant 0 : i32
    %c0_i32_0 = arith.constant 0 : i32
    return %arg0, %c7_i32, %arg1, %c0_i32 : i32, i32, i32, i32
  }
  func.func @transform_8(%arg0: i32, %arg1: i32) -> (i32, i32, i32, i32) {
    %c0_i32 = arith.constant 0 : i32
    %c0_i32_0 = arith.constant 0 : i32
    %c0_i32_1 = arith.constant 0 : i32
    return %arg0, %c0_i32, %arg1, %c0_i32_0 : i32, i32, i32, i32
  }
}

</mosaic_0001>

<sc_bundles>
// kernel: kernel.5.cloned.1.call-start
scs
__scs_entry_jumppad:
0x0: {  	(pc) =	sbr.rel $0x88, $3  }
0x1: {  	(tag) =	ssettag $0x0;
	lr =	simm.s32 $0x1  }
0x2: {  	[smem:$0x3FA0] =	sst lr;
	_ =	strace $0xD0000000  }
0x3: {  	_ = 	snop  }
0x4: {  	_ = 	snop  }
0x5: {  	_ = 	snop  }
0x6: {  	_ = 	snop  }
0x7: {  	_ = 	snop  }
__scs_overlays_trampoline_lowered:
0x8: {  	[smem:$0x3FAF] =	sst s0  }
0x9: {  	[smem:$0x3FB0] =	sst s1  }
0xa: {  	[smem:$0x3FB1] =	sst s2  }
0xb: {  	[smem:$0x3FB2] =	sst s3  }
0xc: {  	[smem:$0x3FB3] =	sst s4  }
0xd: {  	[smem:$0x3FB4] =	sst s5  }
0xe: {  	[smem:$0x3FB5] =	sst s6  }
0xf: {  	[smem:$0x3FB6] =	sst s7  }
0x10: {  	[smem:$0x3FB7] =	sst s8  }
0x11: {  	[smem:$0x3FB8] =	sst s9;
	s0 =	simm.s32 @!p0 $0x0  }
0x12: {  	s1 =	sld [smem:$0x3F9E];
	s0 =	simm.s32 @p0 $0x1  }
0x13: {  	[smem:$0x3FB9] =	sst s0;
	s0 =	simm.s32 @!p1 $0x0  }
0x14: {  	s2 =	sld [smem:$0x3F9D];
	s0 =	simm.s32 @p1 $0x1  }
0x15: {  	[smem:$0x3FBA] =	sst s0;
	s0 =	simm.s32 @!p2 $0x0  }
0x16: {  	s3 =	sld [smem:$0x3FDB];
	s0 =	simm.s32 @p2 $0x1  }
0x17: {  	s4 =	simm.s32 $0x1BF5;
	[smem:$0x3FBC] =	sst s0  }
0x18: {  	s0 =	sld [smem:$0x3F9F];
	_ =	swait.ge [sflag:s4], $0x0  }
0x19: {  	s7 =	sld [smem:$0x3FA0]  }
0x1a: {  	s8 =	sadd.s32 $0xFFFFE003, lr  }
0x1b: {  	s9 =	sadd.s32 $0xFFFFFEF7, lr;
	s5 =	simm.s32 $0xFFFFFFFF;
	p2 =	slt.u32 s8, $0xFFFFF086  }
0x1c: {  	p1 =	slt.u32 s9, $0xF7A;
	s5 =	simm.s32 @!p2 $0x0  }
0x1d: {  	s5 =	simm.s32 @p1 $0x1;
	p0 =	seq.s32 s7, s2  }
0x1e: {  	s7 =	smul.u32 @!p0 $0xF7A, s2;
	p2 =	seq.s32 @!p0 s5, $0x0  }
0x1f: {  	s9 =	smul.u32 $0xF7A, s1;
	s8 =	simm.s32 @!p0 $0x1BF5;
	p2 =	por !p2, p0  }
0x20: {  	[sflag:s8] =	ssyncset.s32 @!p0 $0xFFFFF086;
	s6 =	sadd.s32 @!p0 s3, s7;
	s7 =	simm.s32 @!p0 $0x108  }
0x21: {  	s3 =	sadd.s32 s3, s9;
	s6 =	sadd.s32 @!p0 $0x88, s6;
	s7 =	simm.s32 @p2 $0x1082  }
0x22: {  	[simem:s7], [sflag:s8] =	dma.local @!p0 [hbm:s6], $0xF7A  }
0x23: {  	s9 =	sor.u32 $0xD0000000, s2;
	s6 =	simm.s32 $0x108;
	_ =	swait.ge @!p0 [sflag:s8], $0x0  }
0x24: {  	s3 =	sadd.s32 $0x88, s3;
	s6 =	simm.s32 @!p1 $0x1082;
	[sflag:s4] =	ssyncset.s32 $0xFFFFF086  }
0x25: {  	[simem:s6], [sflag:s4] =	dma.local [hbm:s3], $0xF7A  }
0x26: {  	[smem:$0x3FA0] =	sst s1;
	(tag) =	ssettag s2;
	_ =	strace s9  }
0x27: {  	s1 =	sld [smem:$0x3FB0]  }
0x28: {  	s2 =	sld [smem:$0x3FB1]  }
0x29: {  	s4 =	sld [smem:$0x3FB3]  }
0x2a: {  	p0 =	seq.s32 s5, $0x0;
	s5 =	sld [smem:$0x3FB4]  }
0x2b: {  	s6 =	sld [smem:$0x3FB5]  }
0x2c: {  	s7 =	sld [smem:$0x3FB6]  }
0x2d: {  	s3 =	simm.s32 $0x108;
	s8 =	sld [smem:$0x3FB7]  }
0x2e: {  	s3 =	simm.s32 @!p0 $0x1082;
	s9 =	sld [smem:$0x3FB8]  }
0x2f: {  	lr =	sadd.s32 s0, s3;
	s0 =	sld [smem:$0x3FAF]  }
0x30: {  	s3 =	sld [smem:$0x3FB2]  }
0x31: {  	[smem:$0x3FBB] =	sst s10  }
0x32: {  	s10 =	sld [smem:$0x3FB9];
	_ =	sdelay $0x3  }
0x33: {  	p0 =	seq.s32 s10, $0x1;
	s10 =	sld [smem:$0x3FBB];
	_ =	sdelay $0x3  }
0x34: {  	[smem:$0x3FBB] =	sst s10  }
0x35: {  	s10 =	sld [smem:$0x3FBA];
	_ =	sdelay $0x3  }
0x36: {  	p1 =	seq.s32 s10, $0x1;
	s10 =	sld [smem:$0x3FBB];
	_ =	sdelay $0x3  }
0x37: {  	[smem:$0x3FBB] =	sst s10  }
0x38: {  	s10 =	sld [smem:$0x3FBC]  }
0x39: {  	_ = 	snop;
	(pc) =	sbr.ind lr, $3  }
0x3a: {  	_ = 	snop  }
0x3b: {  	_ = 	snop  }
0x3c: {  	p2 =	seq.s32 s10, $0x1;
	s10 =	sld [smem:$0x3FBB]  }
0x3d: {  	_ =	shalt  }
0x3e: {  	_ =	shalt  }
0x3f: {  	_ =	shalt  }
0x40: {  	_ =	shalt  }
0x41: {  	_ =	shalt  }
0x42: {  	_ =	shalt  }
0x43: {  	_ =	shalt  }
0x44: {  	_ =	shalt  }
0x45: {  	_ =	shalt  }
0x46: {  	_ =	shalt  }
0x47: {  	_ =	shalt  }
0x48: {  	_ =	shalt  }
0x49: {  	_ =	shalt  }
0x4a: {  	_ =	shalt  }
0x4b: {  	_ =	shalt  }
0x4c: {  	_ =	shalt  }
0x4d: {  	_ =	shalt  }
0x4e: {  	_ =	shalt  }
0x4f: {  	_ =	shalt  }
0x50: {  	_ =	shalt  }
0x51: {  	_ =	shalt  }
0x52: {  	_ =	shalt  }
0x53: {  	_ =	shalt  }
0x54: {  	_ =	shalt  }
0x55: {  	_ =	shalt  }
0x56: {  	_ =	shalt  }
0x57: {  	_ =	shalt  }
0x58: {  	_ =	shalt  }
0x59: {  	_ =	shalt  }
0x5a: {  	_ =	shalt  }
0x5b: {  	_ =	shalt  }
0x5c: {  	_ =	shalt  }
0x5d: {  	_ =	shalt  }
0x5e: {  	_ =	shalt  }
0x5f: {  	_ =	shalt  }
0x60: {  	_ =	shalt  }
0x61: {  	_ =	shalt  }
0x62: {  	_ =	shalt  }
0x63: {  	_ =	shalt  }
0x64: {  	_ =	shalt  }
0x65: {  	_ =	shalt  }
0x66: {  	_ =	shalt  }
0x67: {  	_ =	shalt  }
0x68: {  	_ =	shalt  }
0x69: {  	_ =	shalt  }
0x6a: {  	_ =	shalt  }
0x6b: {  	_ =	shalt  }
0x6c: {  	_ =	shalt  }
0x6d: {  	_ =	shalt  }
0x6e: {  	_ =	shalt  }
0x6f: {  	_ =	shalt  }
0x70: {  	_ =	shalt  }
0x71: {  	_ =	shalt  }
0x72: {  	_ =	shalt  }
0x73: {  	_ =	shalt  }
0x74: {  	_ =	shalt  }
0x75: {  	_ =	shalt  }
0x76: {  	_ =	shalt  }
0x77: {  	_ =	shalt  }
0x78: {  	_ =	shalt  }
0x79: {  	_ =	shalt  }
0x7a: {  	_ =	shalt  }
0x7b: {  	_ =	shalt  }
0x7c: {  	_ =	shalt  }
0x7d: {  	_ =	shalt  }
0x7e: {  	_ =	shalt  }
0x7f: {  	_ =	shalt  }
0x80: {  	_ =	shalt  }
0x81: {  	_ =	shalt  }
0x82: {  	_ =	shalt  }
0x83: {  	_ =	shalt  }
0x84: {  	_ =	shalt  }
0x85: {  	_ =	shalt  }
0x86: {  	_ =	shalt  }
0x87: {  	_ =	shalt  }
.Lfunc_end0:
.L_simem_size_0:
called_computation_lowered:
.L_overlay_start_0:
0x88: {  	s2 =	sld [smem:$0x3FD9]  }
0x89: {  	s3 =	sld [smem:$0x3FFE];
	_ =	sdelay $0x1  }
0x8a: {  	s1 =	srdreg.scid  }
0x8b: {  	s0 =	sand.u32 $0x1, s1  }
0x8c: {  	s17 =	sshll.u32 s0, $0xA;
	s2 =	sadd.s32 s3, s2  }
0x8d: {  	s2 =	sadd.s32 s2, s17  }
0x8e: {  	[smem:$0x3FC7] =	sst s2  }
0x8f: {  	_ = 	snop  }
0x90: {  	s2 =	sld [smem:$0x3FD0];
	(tm) =	ssettm $0x1  }
0x91: {  	s18 =	sld [smem:$0x3FFB];
	_ =	sdelay $0x3  }
0x92: {  	_ =	strace s18  }
0x93: {  	s3 =	sld [smem:$0x3FFC];
	_ =	sdelay $0x3  }
0x94: {  	_ =	strace s3  }
0x95: {  	s3 =	sld [smem:$0x3FFD];
	_ =	sdelay $0x3  }
0x96: {  	_ =	strace s3  }
0x97: {  	_ =	strace $0x8FFFFFFF  }
0x98: {  	s19 =	sld [smem:$0x3FDB];
	_ =	sdelay $0x1  }
0x99: {  	s4 =	simm.s32 $_scs_section_size  }
0x9a: {  	s5 =	simm.s32 $_size__tile_overlayer_lowered;
	s6 =	simm.s32 $_tile_overlayer_lowered  }
0x9b: {  	s22 =	simm.s32 $0x1BFF;
	s21 =	sshll.u32 s6, $0x1;
	s3 =	sadd.s32 s4, s19  }
0x9c: {  	s7 =	simm.s32 $0x0;
	s20 =	sshll.u32 s5, $0x1;
	s5 =	sadd.s32 s21, s3  }
0x9d: {  	[timem:s7], [sflag:s22] =	dma.local [hbm:s5], s20  }
0x9e: {  	_ =	swait.ge [sflag:s22], s20  }
0x9f: {  	s4 =	ssub.s32 $0x0, s20;
	[sflag:s22] =	ssyncset.done $0x0  }
0xa0: {  	[sflag:s22] =	ssyncadd.s32 s4;
	_ =	sdelay $0x1  }
0xa1: {  	s23 =	simm.s32 $0x1B8B  }
0xa2: {  	_ =	swait.ge [sflag:s23], $0x1  }
0xa3: {  	[sflag:s23] =	ssyncset.done $0x0  }
0xa4: {  	s25 =	simm.s32 $0x1B8E;
	s24 =	sld [smem:$0x3FFE];
	[sflag:s23] =	ssyncadd.s32 $0xFFFFFFFF  }
0xa5: {  	s26 =	simm.s32 $execute0_lowered;
	[smem:$0x3FD2] =	sst s25  }
0xa6: {  	s5 =	sshll.u32 s26, $0x1;
	_ =	strace $0x80000046;
	[dreg:$0x1] =	wrdreg $0xFFFFFFFF  }
0xa7: {  	s28 =	simm.s32 $_size_execute0_lowered;
	s3 =	sadd.s32 s3, s5;
	[dreg:$0x0] =	wrdreg $0x0  }
0xa8: {  	s5 =	sshll.u32 s28, $0x1;
	[dreg:$0x2] =	wrdreg s3  }
0xa9: {  	[dreg:$0x3] =	wrdreg s5  }
0xaa: {  	[dreg:$0x4] =	wrdreg $0xC0  }
0xab: {  	_ =	task [dreg:s7], $0x5FFFF  }
0xac: {  	[dreg:$0x1] =	wrdreg $0xFFFFFFFF  }
0xad: {  	[dreg:$0x0] =	wrdreg $0x60  }
0xae: {  	[dreg:$0x2] =	wrdreg s2  }
0xaf: {  	[dreg:$0x3] =	wrdreg s24  }
0xb0: {  	[dreg:$0x4] =	wrdreg $0x9  }
0xb1: {  	_ =	task.clear_ibuf [dreg:s7], $0x5FFFF;
	_ =	strace $0x90000046  }
0xb2: {  	s29 =	simm.s32 $0x9;
	_ =	strace $0x80000048  }
0xb3: {  	_ =	swait.ge [sflag:s29], $0x1  }
0xb4: {  	[sflag:s29] =	ssyncadd.s32 $0xFFFFFFFF  }
0xb5: {  	_ =	strace $0x90000048  }
0xb6: {  	_ =	sfence  }
0xb7: {  	s30 =	sld [smem:$0x0];
	_ =	sdelay $0x2  }
0xb8: {  	s31 =	sshll.u32 s1, $0xD;
	s1 =	sshrl.u32 s1, $0x2  }
0xb9: {  	s3 =	sand.u32 $0x4000, s31;
	s1 =	sadd.s32 s1, s30  }
0xba: {  	s0 =	sor.u32 s3, s0;
	s1 =	sshll.u32 s1, $0x11  }
0xbb: {  	s0 =	sor.u32 s1, s0  }
0xbc: {  	s0 =	sadd.s32 $0x8F2B, s0  }
0xbd: {  	[sflag:s0] =	ssyncadd.remote.s32 $0x1  }
0xbe: {  	_ =	sfence.sel $0xFFFF  }
0xbf: {  	[dreg:$0x0] =	wrdreg $0xFFFFFFFF;
	(pc) =	sbr.abs _section_cstart, $3  }
0xc0: {  	[dreg:$0x1] =	wrdreg $0xFFFFFFFF  }
0xc1: {  	_ =	task.clear_ibuf [dreg:s7], $0x2FFFF;
	_ =	strace $0x9FFFFFFF  }
0xc2: {  	(tm) =	ssettm $0x7FFFFFFF  }
0xc3: {  	_ =	shalt  }
tec
execute0_lowered:
.L_overlay_start_1:
0x0: {  	(tag) =	ssettag $0x1  }
0x1: {  	s3 =	rddreg [dreg:$0x0]  }
0x2: {  	s0 =	stileid.u32;
	s4 =	rddreg [dreg:$0x1]  }
0x3: {  	s2 =	srdreg.scid;
	s1 =	rddreg [dreg:$0x2]  }
0x4: {  	s9 =	simm.s32 $0x400;
	s10 =	simm.s32 $0x0;
	s5 =	sshll.u32 s0, $0x1  }
0x5: {  	s6 =	sand.u32 $0x1, s2;
	s2 =	simm.s32 $0x0;
	s7 =	sshll.u32 s0, $0xF  }
0x6: {  	s5 =	sand.u32 $0x6, s5;
	[smem:$0x7FF] =	sst s2;
	s7 =	sand.u32 $0x60000, s7  }
0x7: {  	s5 =	sor.u32 s6, s5;
	_ =	strace $0x80000047;
	s6 =	ssub.s32 $0x2, s6  }
0x8: {  	s8 =	sshll.u32 s5, $0x7;
	s5 =	sshll.u32 s5, $0xE;
	s31 =	sshrl.u32 s6, $0x1  }
0x9: {  	s8 =	sor.u32 s7, s8;
	s5 =	sor.u32 s7, s5;
	s6 =	ssub.s32 s6, s31  }
0xa: {  	s7 =	simm.s32 $0x4000;
	s8 =	sshrl.u32 s8, $0x3;
	s5 =	sshrl.u32 s5, $0x3  }
0xb: {  	s4 =	sadd.s32 s8, s4;
	s3 =	sadd.s32 s3, s5;
	s5 =	smax.u32 s6, $0x1  }
0xc: {  	v0 =	vimm.s32 $0x0;
	v1 =	vimm.s32 $0x1;
	s6 =	simm.s32 $0x1;
	s8 =	simm.s32 $0x80;
	s4 =	sadd.s32 $0x600, s4  }
.LBB2_1:
0xd: {  	[tilespmem:s2], [sflag:$0x1] =	stream.linear.gather [hbm4b:s3+s2], $0x4000, $0x38;
	[tilespmem:$0x8000] =	vst v63  }
0xe: {  	_ =	swait.ge [sflag:s6], $0x4000  }
0xf: {  	[sflag:s6] =	ssyncset.done $0x0  }
0x10: {  	s11 =	simm.s32 $0x40;
	s12 =	simm.s32 $0x0;
	[sflag:s6] =	ssyncadd.s32 $0xFFFFC000  }
.LBB2_2:
0x11: {  	p0 =	sne.s32 s11, $0xFFC0;
	[tilespmem:s12+$0x4000] =	vst v0;
	s12 =	smov.u32 s11;
	s11 =	sadd.s32 $0x40, s11  }
.Ltmp0:
0x12: {  	(pc) =	sbr.rel @p0 .LBB2_2-.Ltmp0, $2  }
0x13: {  	_ =	sdelay $0x2  }
0x14: {  	s12 =	sshra.s32 s12, $0x2  }
0x15: {  	s11 =	simm.s32 $0x0  }
0x16: {  	s13 =	sand.u32 $0x70, s11;
	s11 =	sand.u32 $0x3C00, s11  }
0x17: {  	[tilespmem:s12+$0x4000] =	vst v0;
	s12 =	sor.u32 s13, s11  }
0x18: {  	v2 =	vld [tilespmem:s12+$0x0];
	_ =	sdelay $0x4  }
0x19: {  	v2 =	vshll.u32 v2, $0x3;
	_ =	sdelay $0x2  }
0x1a: {  	s11 =	simm.s32 $0x10;
	s13 =	simm.s32 $0x80  }
0x1b: {  	s14 =	simm.s32 $0x20;
	s15 =	sand.u32 $0x70, s11;
	s16 =	sand.u32 $0x3C00, s13  }
.LBB2_4:
0x1c: {  	p0 =	sne.s32 s14, $0x7F0;
	s15 =	sor.u32 s15, s16;
	[tilespmem:v2+s7+$0x0] =	vst.idx.msk $0xffff, v1  }
0x1d: {  	v2 =	vld [tilespmem:s15+$0x0];
	_ =	sdelay $0x4  }
.Ltmp1:
0x1e: {  	v2 =	vshll.u32 v2, $0x3;
	(pc) =	sbr.rel @p0 .LBB2_4-.Ltmp1, $3  }
0x1f: {  	_ =	sdelay $0x1  }
0x20: {  	s13 =	sadd.s32 $0x80, s13  }
0x21: {  	s15 =	sand.u32 $0x70, s14;
	s16 =	sand.u32 $0x3C00, s13;
	s14 =	sadd.s32 $0x10, s14  }
0x22: {  	_ =	sdelay $0x3  }
0x23: {  	s13 =	sor.u32 s15, s16;
	[tilespmem:v2+s7+$0x0] =	vst.idx.msk $0xffff, v1  }
0x24: {  	v2 =	vld [tilespmem:s13+$0x0];
	_ =	sdelay $0x4  }
0x25: {  	v2 =	vshll.u32 v2, $0x3;
	_ =	sdelay $0x4  }
0x26: {  	[tilespmem:v2+s7+$0x0] =	vst.idx.msk $0xffff, v1  }
0x27: {  	v2 =	vld [tilespmem:s12+$0x80];
	_ =	sdelay $0x4  }
0x28: {  	v2 =	vshll.u32 v2, $0x3  }
0x29: {  	v2 =	vor.u32 $0x1, v2;
	_ =	sdelay $0x2  }
0x2a: {  	s12 =	simm.s32 $0x80  }
0x2b: {  	s13 =	sand.u32 $0x70, s11;
	s11 =	simm.s32 $0x20;
	s14 =	sand.u32 $0x3C00, s12  }
.LBB2_6:
0x2c: {  	p0 =	sne.s32 s11, $0x7F0;
	s13 =	sor.u32 s13, s14;
	[tilespmem:v2+s7+$0x0] =	vst.idx.msk $0xffff, v1  }
0x2d: {  	v2 =	vld [tilespmem:s13+$0x80];
	_ =	sdelay $0x4  }
0x2e: {  	v2 =	vshll.u32 v2, $0x3  }
.Ltmp2:
0x2f: {  	v2 =	vor.u32 $0x1, v2;
	(pc) =	sbr.rel @p0 .LBB2_6-.Ltmp2, $3  }
0x30: {  	_ =	sdelay $0x1  }
0x31: {  	s12 =	sadd.s32 $0x80, s12  }
0x32: {  	s13 =	sand.u32 $0x70, s11;
	s14 =	sand.u32 $0x3C00, s12;
	s11 =	sadd.s32 $0x10, s11  }
0x33: {  	_ =	sdelay $0x3  }
0x34: {  	s11 =	sor.u32 s13, s14;
	[tilespmem:v2+s7+$0x0] =	vst.idx.msk $0xffff, v1  }
0x35: {  	v2 =	vld [tilespmem:s11+$0x80];
	_ =	sdelay $0x4  }
0x36: {  	v2 =	vshll.u32 v2, $0x3  }
0x37: {  	v2 =	vor.u32 $0x1, v2;
	_ =	sdelay $0x2  }
0x38: {  	s31 =	simm.s32 $0x0  }
0x39: {  	s12 =	sand.u32 $0x70, s31;
	s11 =	sand.u32 $0x3C00, s31  }
0x3a: {  	s12 =	sor.u32 s12, s11;
	[tilespmem:v2+s7+$0x0] =	vst.idx.msk $0xffff, v1  }
0x3b: {  	v2 =	vld [tilespmem:s12+$0x100];
	_ =	sdelay $0x4  }
0x3c: {  	v2 =	vshll.u32 v2, $0x3  }
0x3d: {  	v2 =	vor.u32 $0x2, v2;
	_ =	sdelay $0x2  }
0x3e: {  	s13 =	simm.s32 $0x80;
	s11 =	simm.s32 $0x10  }
0x3f: {  	s14 =	simm.s32 $0x20;
	s16 =	sand.u32 $0x3C00, s13;
	s15 =	sand.u32 $0x70, s11  }
.LBB2_8:
0x40: {  	p0 =	sne.s32 s14, $0x7F0;
	s15 =	sor.u32 s15, s16;
	[tilespmem:v2+s7+$0x0] =	vst.idx.msk $0xffff, v1  }
0x41: {  	v2 =	vld [tilespmem:s15+$0x100];
	_ =	sdelay $0x4  }
0x42: {  	v2 =	vshll.u32 v2, $0x3  }
.Ltmp3:
0x43: {  	v2 =	vor.u32 $0x2, v2;
	(pc) =	sbr.rel @p0 .LBB2_8-.Ltmp3, $3  }
0x44: {  	_ =	sdelay $0x1  }
0x45: {  	s13 =	sadd.s32 $0x80, s13  }
0x46: {  	s15 =	sand.u32 $0x70, s14;
	s16 =	sand.u32 $0x3C00, s13;
	s14 =	sadd.s32 $0x10, s14  }
0x47: {  	_ =	sdelay $0x3  }
0x48: {  	s13 =	sor.u32 s15, s16;
	[tilespmem:v2+s7+$0x0] =	vst.idx.msk $0xffff, v1  }
0x49: {  	v2 =	vld [tilespmem:s13+$0x100];
	_ =	sdelay $0x4  }
0x4a: {  	v2 =	vshll.u32 v2, $0x3  }
0x4b: {  	v2 =	vor.u32 $0x2, v2;
	_ =	sdelay $0x4  }
0x4c: {  	[tilespmem:v2+s7+$0x0] =	vst.idx.msk $0xffff, v1  }
0x4d: {  	v2 =	vld [tilespmem:s12+$0x180];
	_ =	sdelay $0x4  }
0x4e: {  	v2 =	vshll.u32 v2, $0x3  }
0x4f: {  	v2 =	vor.u32 $0x3, v2;
	_ =	sdelay $0x2  }
0x50: {  	s12 =	simm.s32 $0x80  }
0x51: {  	s13 =	sand.u32 $0x70, s11;
	s11 =	simm.s32 $0x20;
	s14 =	sand.u32 $0x3C00, s12  }
.LBB2_10:
0x52: {  	p0 =	sne.s32 s11, $0x7F0;
	s13 =	sor.u32 s13, s14;
	[tilespmem:v2+s7+$0x0] =	vst.idx.msk $0xffff, v1  }
0x53: {  	v2 =	vld [tilespmem:s13+$0x180];
	_ =	sdelay $0x4  }
0x54: {  	v2 =	vshll.u32 v2, $0x3  }
.Ltmp4:
0x55: {  	v2 =	vor.u32 $0x3, v2;
	(pc) =	sbr.rel @p0 .LBB2_10-.Ltmp4, $3  }
0x56: {  	_ =	sdelay $0x1  }
0x57: {  	s12 =	sadd.s32 $0x80, s12  }
0x58: {  	s13 =	sand.u32 $0x70, s11;
	s14 =	sand.u32 $0x3C00, s12;
	s11 =	sadd.s32 $0x10, s11  }
0x59: {  	_ =	sdelay $0x3  }
0x5a: {  	s11 =	sor.u32 s13, s14;
	[tilespmem:v2+s7+$0x0] =	vst.idx.msk $0xffff, v1  }
0x5b: {  	v2 =	vld [tilespmem:s11+$0x180];
	_ =	sdelay $0x4  }
0x5c: {  	v2 =	vshll.u32 v2, $0x3  }
0x5d: {  	v2 =	vor.u32 $0x3, v2;
	_ =	sdelay $0x2  }
0x5e: {  	s31 =	simm.s32 $0x0  }
0x5f: {  	s12 =	sand.u32 $0x70, s31;
	s11 =	sand.u32 $0x3C00, s31  }
0x60: {  	s12 =	sor.u32 s12, s11;
	[tilespmem:v2+s7+$0x0] =	vst.idx.msk $0xffff, v1  }
0x61: {  	v2 =	vld [tilespmem:s12+$0x200];
	_ =	sdelay $0x4  }
0x62: {  	v2 =	vshll.u32 v2, $0x3  }
0x63: {  	v2 =	vor.u32 $0x4, v2;
	_ =	sdelay $0x2  }
0x64: {  	s13 =	simm.s32 $0x80;
	s11 =	simm.s32 $0x10  }
0x65: {  	s14 =	simm.s32 $0x20;
	s16 =	sand.u32 $0x3C00, s13;
	s15 =	sand.u32 $0x70, s11  }
.LBB2_12:
0x66: {  	p0 =	sne.s32 s14, $0x7F0;
	s15 =	sor.u32 s15, s16;
	[tilespmem:v2+s7+$0x0] =	vst.idx.msk $0xffff, v1  }
0x67: {  	v2 =	vld [tilespmem:s15+$0x200];
	_ =	sdelay $0x4  }
0x68: {  	v2 =	vshll.u32 v2, $0x3  }
.Ltmp5:
0x69: {  	v2 =	vor.u32 $0x4, v2;
	(pc) =	sbr.rel @p0 .LBB2_12-.Ltmp5, $3  }
0x6a: {  	_ =	sdelay $0x1  }
0x6b: {  	s13 =	sadd.s32 $0x80, s13  }
0x6c: {  	s15 =	sand.u32 $0x70, s14;
	s16 =	sand.u32 $0x3C00, s13;
	s14 =	sadd.s32 $0x10, s14  }
0x6d: {  	_ =	sdelay $0x3  }
0x6e: {  	s13 =	sor.u32 s15, s16;
	[tilespmem:v2+s7+$0x0] =	vst.idx.msk $0xffff, v1  }
0x6f: {  	v2 =	vld [tilespmem:s13+$0x200];
	_ =	sdelay $0x4  }
0x70: {  	v2 =	vshll.u32 v2, $0x3  }
0x71: {  	v2 =	vor.u32 $0x4, v2;
	_ =	sdelay $0x4  }
0x72: {  	[tilespmem:v2+s7+$0x0] =	vst.idx.msk $0xffff, v1  }
0x73: {  	v2 =	vld [tilespmem:s12+$0x280];
	_ =	sdelay $0x4  }
0x74: {  	v2 =	vshll.u32 v2, $0x3  }
0x75: {  	v2 =	vor.u32 $0x5, v2;
	_ =	sdelay $0x2  }
0x76: {  	s12 =	simm.s32 $0x80  }
0x77: {  	s13 =	sand.u32 $0x70, s11;
	s11 =	simm.s32 $0x20;
	s14 =	sand.u32 $0x3C00, s12  }
.LBB2_14:
0x78: {  	p0 =	sne.s32 s11, $0x7F0;
	s13 =	sor.u32 s13, s14;
	[tilespmem:v2+s7+$0x0] =	vst.idx.msk $0xffff, v1  }
0x79: {  	v2 =	vld [tilespmem:s13+$0x280];
	_ =	sdelay $0x4  }
0x7a: {  	v2 =	vshll.u32 v2, $0x3  }
.Ltmp6:
0x7b: {  	v2 =	vor.u32 $0x5, v2;
	(pc) =	sbr.rel @p0 .LBB2_14-.Ltmp6, $3  }
0x7c: {  	_ =	sdelay $0x1  }
0x7d: {  	s12 =	sadd.s32 $0x80, s12  }
0x7e: {  	s13 =	sand.u32 $0x70, s11;
	s14 =	sand.u32 $0x3C00, s12;
	s11 =	sadd.s32 $0x10, s11  }
0x7f: {  	_ =	sdelay $0x3  }
0x80: {  	s11 =	sor.u32 s13, s14;
	[tilespmem:v2+s7+$0x0] =	vst.idx.msk $0xffff, v1  }
0x81: {  	v2 =	vld [tilespmem:s11+$0x280];
	_ =	sdelay $0x4  }
0x82: {  	v2 =	vshll.u32 v2, $0x3  }
0x83: {  	v2 =	vor.u32 $0x5, v2;
	_ =	sdelay $0x2  }
0x84: {  	s11 =	simm.s32 $0x0  }
0x85: {  	s12 =	sand.u32 $0x70, s11;
	s30 =	sand.u32 $0x3C00, s11  }
0x86: {  	s12 =	sor.u32 s12, s30;
	[tilespmem:v2+s7+$0x0] =	vst.idx.msk $0xffff, v1  }
0x87: {  	v2 =	vld [tilespmem:s12+$0x300];
	_ =	sdelay $0x4  }
0x88: {  	v2 =	vshll.u32 v2, $0x3  }
0x89: {  	v2 =	vor.u32 $0x6, v2;
	_ =	sdelay $0x2  }
0x8a: {  	s31 =	simm.s32 $0x10;
	s12 =	simm.s32 $0x80  }
0x8b: {  	s13 =	simm.s32 $0x20;
	s14 =	sand.u32 $0x70, s31;
	s15 =	sand.u32 $0x3C00, s12  }
.LBB2_16:
0x8c: {  	p0 =	sne.s32 s13, $0x7F0;
	s14 =	sor.u32 s14, s15;
	[tilespmem:v2+s7+$0x0] =	vst.idx.msk $0xffff, v1  }
0x8d: {  	v2 =	vld [tilespmem:s14+$0x300];
	_ =	sdelay $0x4  }
0x8e: {  	v2 =	vshll.u32 v2, $0x3  }
.Ltmp7:
0x8f: {  	v2 =	vor.u32 $0x6, v2;
	(pc) =	sbr.rel @p0 .LBB2_16-.Ltmp7, $3  }
0x90: {  	_ =	sdelay $0x1  }
0x91: {  	s12 =	sadd.s32 $0x80, s12  }
0x92: {  	s14 =	sand.u32 $0x70, s13;
	s15 =	sand.u32 $0x3C00, s12;
	s13 =	sadd.s32 $0x10, s13  }
0x93: {  	_ =	sdelay $0x3  }
0x94: {  	s12 =	sor.u32 s14, s15;
	[tilespmem:v2+s7+$0x0] =	vst.idx.msk $0xffff, v1  }
0x95: {  	v2 =	vld [tilespmem:s12+$0x300];
	_ =	sdelay $0x4  }
0x96: {  	v2 =	vshll.u32 v2, $0x3  }
0x97: {  	v2 =	vor.u32 $0x6, v2;
	_ =	sdelay $0x1  }
0x98: {  	s31 =	sand.u32 $0x7, s11  }
0x99: {  	s12 =	sshll.u32 s31, $0x4  }
0x9a: {  	s12 =	sadd.s32 $0x0, s12  }
0x9b: {  	s12 =	sor.u32 $0x380, s12;
	[tilespmem:v2+s7+$0x0] =	vst.idx.msk $0xffff, v1  }
0x9c: {  	v2 =	vld [tilespmem:s12+$0x0];
	_ =	sdelay $0x4  }
0x9d: {  	v2 =	vshll.u32 v2, $0x3  }
0x9e: {  	v2 =	vor.u32 $0x7, v2  }
0x9f: {  	s12 =	simm.s32 $0x1  }
0xa0: {  	s13 =	simm.s32 $0x20;
	s14 =	sand.u32 $0x7, s12  }
.LBB2_18:
0xa1: {  	p0 =	sne.s32 s13, $0x7F0;
	s14 =	sshll.u32 s14, $0x4;
	s11 =	sadd.s32 $0x80, s11  }
0xa2: {  	s14 =	sadd.s32 s14, s11  }
0xa3: {  	s14 =	sor.u32 $0x380, s14;
	[tilespmem:v2+s7+$0x0] =	vst.idx.msk $0xffff, v1  }
0xa4: {  	v2 =	vld [tilespmem:s14+$0x0];
	_ =	sdelay $0x3  }
.Ltmp8:
0xa5: {  	(pc) =	sbr.rel @p0 .LBB2_18-.Ltmp8, $4  }
0xa6: {  	v2 =	vshll.u32 v2, $0x3  }
0xa7: {  	v2 =	vor.u32 $0x7, v2  }
0xa8: {  	s12 =	sadd.s32 $0x1, s12  }
0xa9: {  	s13 =	sadd.s32 $0x10, s13;
	s14 =	sand.u32 $0x7, s12  }
0xaa: {  	_ =	sdelay $0x1  }
0xab: {  	s12 =	sshll.u32 s14, $0x4;
	s11 =	sadd.s32 $0x80, s11  }
0xac: {  	s11 =	sadd.s32 s12, s11  }
0xad: {  	[tilespmem:v2+s7+$0x0] =	vst.idx.msk $0xffff, v1;
	s11 =	sor.u32 $0x380, s11  }
0xae: {  	v2 =	vld [tilespmem:s11+$0x0];
	_ =	sdelay $0x4  }
0xaf: {  	v2 =	vshll.u32 v2, $0x3  }
0xb0: {  	v2 =	vor.u32 $0x7, v2;
	_ =	sdelay $0x2  }
0xb1: {  	s10 =	sadd.s32 $0x1, s10  }
0xb2: {  	p0 =	sne.s32 s10, s5  }
.Ltmp9:
0xb3: {  	[tilespmem:v2+s7+$0x0] =	vst.idx.msk $0xffff, v1;
	(pc) =	sbr.rel @p0 .LBB2_1-.Ltmp9, $4  }
0xb4: {  	[hbm4b:s4+s8] =	stream.strided.scatter [tilespmem:s7], [sflag:$0x1], $0x4000, s9, s8, $0x38;
	[tilespmem:$0x8000] =	vst v63  }
0xb5: {  	_ =	swait.ge [sflag:s6], $0x4000  }
0xb6: {  	[sflag:s6] =	ssyncset.done $0x0  }
0xb7: {  	[sflag:s6] =	ssyncadd.s32 $0xFFFFC000  }
0xb8: {  	_ =	sfence.sel $0x180000  }
0xb9: {  	[bflag:$0x0] =	sbarrier.arrive $0xFFFF  }
0xba: {  	p0 =	sne.s32 s0, $0x0;
	_ =	strace $0x90000047  }
0xbb: {  	s0 =	sadd.s32 @!p0 $0x100000, s1;
	[bflag:$0x2] =	sbarrier.arrive $0xFFFF  }
0xbc: {  	[sflag:s0] =	ssyncadd.tile.s32 @!p0 $0x1;
	_ =	shalt  }
.Lfunc_end2:
_tile_overlayer_lowered:
.L_overlay_start_2:
0xbd: {  	(tag) =	ssettag $0x2  }
0xbe: {  	s0 =	rddreg [dreg:$0x0];
	s2 =	stileid.u32  }
0xbf: {  	s1 =	rddreg [dreg:$0x1];
	p0 =	sne.s32 s2, $0x0  }
0xc0: {  	s3 =	rddreg [dreg:$0x2];
	[bflag:$0x3] =	sbarrier.arrive $0xFFFF;
	s2 =	simm.s32 @!p0 $0x1C01  }
0xc1: {  	[timem:s3], [sflag:s2] =	dma.local @!p0 [hbm:s0], s1  }
0xc2: {  	s0 =	simm.s32 @!p0 $0x1  }
0xc3: {  	_ =	swait.ge @!p0 [sflag:s0], s1  }
0xc4: {  	s1 =	ssub.s32 @!p0 $0x0, s1;
	[sflag:s0] =	ssyncset.done @!p0 $0x0  }
0xc5: {  	[sflag:s0] =	ssyncadd.s32 @!p0 s1  }
0xc6: {  	[bflag:$0x3] =	sbarrier.arrive $0xFFFF  }
0xc7: {  	_ =	shalt  }

</sc_bundles>
